<compile_context>
chip_gen: v7x
topology: tpu7x:2x2x1
jax: 0.10.2.dev20260603
libtpu: 0.0.44.dev20260713+nightly
codegen_flags: <defaults>
</compile_context>

<pallas_src>
import functools

import jax
import jax.numpy as jnp
import numpy as np
from jax.experimental import pallas as pl

D_MODEL = 256
N_HEADS = 8
N_LEVELS = 4
N_POINTS = 4
D_HEAD = D_MODEL // N_HEADS
_SPATIAL = [(64, 64), (32, 32), (16, 16), (8, 8)]
LQ = sum(h * w for h, w in _SPATIAL)
B = 4
M = B * LQ
BLK_M = 640

_LEVEL_SIZE = np.array([w for (h, w) in _SPATIAL], np.float32)
_LEVEL_START = np.array(np.cumsum([0] + [h * w for h, w in _SPATIAL])[:-1],
                        np.float32)


def _gemm_bias_kernel(x_ref, w_ref, b_ref, o_ref):
    o_ref[...] = (
        jnp.dot(x_ref[...], w_ref[...], preferred_element_type=jnp.float32, precision=jax.lax.Precision.HIGHEST)
        + b_ref[...]
    )


def _gemm_bias(x, w, b):
    m, k = x.shape
    n = w.shape[1]
    return pl.pallas_call(
        _gemm_bias_kernel,
        grid=(m // BLK_M,),
        in_specs=[
            pl.BlockSpec((BLK_M, k), lambda i: (i, 0)),
            pl.BlockSpec((k, n), lambda i: (0, 0)),
            pl.BlockSpec((1, n), lambda i: (0, 0)),
        ],
        out_specs=pl.BlockSpec((BLK_M, n), lambda i: (i, 0)),
        out_shape=jax.ShapeDtypeStruct((m, n), jnp.float32),
    )(x, w, b.reshape(1, n))


def _addr_kernel(q_ref, rp_ref, wox_ref, woy_ref, box_ref, boy_ref,
                 wa_ref, ba_ref, selx_ref, sely_ref, g_ref,
                 idx_ref, w_ref):
    blk = q_ref.shape[0]
    q = q_ref[...]
    a = jnp.dot(q, wa_ref[...], preferred_element_type=jnp.float32, precision=jax.lax.Precision.HIGHEST) + ba_ref[...]
    a = a - jnp.max(a, axis=1, keepdims=True)
    e = jnp.exp(a)
    s = jnp.dot(e, g_ref[...], preferred_element_type=jnp.float32, precision=jax.lax.Precision.HIGHEST)
    attn = e / s

    ex = jnp.dot(q, wox_ref[...], preferred_element_type=jnp.float32, precision=jax.lax.Precision.HIGHEST) + box_ref[...]
    ey = jnp.dot(q, woy_ref[...], preferred_element_type=jnp.float32, precision=jax.lax.Precision.HIGHEST) + boy_ref[...]
    rp = rp_ref[...]
    rpx = jnp.dot(rp, selx_ref[...], preferred_element_type=jnp.float32, precision=jax.lax.Precision.HIGHEST)
    rpy = jnp.dot(rp, sely_ref[...], preferred_element_type=jnp.float32, precision=jax.lax.Precision.HIGHEST)
    rpx = jnp.clip(rpx, 1e-5, 1.0 - 1e-5)
    rpy = jnp.clip(rpy, 1e-5, 1.0 - 1e-5)

    k = jax.lax.broadcasted_iota(jnp.int32, (blk, 128), 1)
    h_lane = k >> 4
    l_lane = (k >> 2) & 3
    scale = jnp.where(l_lane == 0, 64.0,
                      jnp.where(l_lane == 1, 32.0,
                                jnp.where(l_lane == 2, 16.0, 8.0)))
    start = jnp.where(l_lane == 0, 0.0,
                      jnp.where(l_lane == 1, 4096.0,
                                jnp.where(l_lane == 2, 5120.0, 5376.0)))

    r = (pl.program_id(0) * blk
         + jax.lax.broadcasted_iota(jnp.int32, (blk, 128), 0))
    b_idx = jnp.floor((r.astype(jnp.float32) + 0.5) * (1.0 / LQ))
    base = (b_idx * N_HEADS + h_lane.astype(jnp.float32)) * float(LQ) + start

    x = rpx * scale + ex - 0.5
    y = rpy * scale + ey - 0.5
    x0 = jnp.floor(x)
    y0 = jnp.floor(y)
    fx = x - x0
    fy = y - y0

    def corner_x(c):
        cx = x0 + c
        wx = fx if c else 1.0 - fx
        vx = (cx >= 0.0) & (cx <= scale - 1.0)
        return jnp.clip(cx, 0.0, scale - 1.0), jnp.where(vx, wx, 0.0)

    def corner_y(c):
        cy = y0 + c
        wy = fy if c else 1.0 - fy
        vy = (cy >= 0.0) & (cy <= scale - 1.0)
        return jnp.clip(cy, 0.0, scale - 1.0), jnp.where(vy, wy, 0.0)

    cx0, wx0 = corner_x(0)
    cx1, wx1 = corner_x(1)
    cy0, wy0 = corner_y(0)
    cy1, wy1 = corner_y(1)
    corners = ((cy0, cx0, wy0 * wx0), (cy0, cx1, wy0 * wx1),
               (cy1, cx0, wy1 * wx0), (cy1, cx1, wy1 * wx1))
    for c, (cy, cx, w) in enumerate(corners):
        idx_ref[:, c, :] = (base + cy * scale + cx).astype(jnp.int32)
        w_ref[:, c, :] = w * attn


def _addr(q2d, rp8, wox, woy, box, boy, wa, ba, selx, sely, g):
    full = lambda shape: pl.BlockSpec(shape, lambda i: tuple(0 for _ in shape))
    return pl.pallas_call(
        _addr_kernel,
        grid=(M // BLK_M,),
        in_specs=[
            pl.BlockSpec((BLK_M, 256), lambda i: (i, 0)),
            pl.BlockSpec((BLK_M, 8), lambda i: (i, 0)),
            full((256, 128)), full((256, 128)),
            full((1, 128)), full((1, 128)),
            full((256, 128)), full((1, 128)),
            full((8, 128)), full((8, 128)),
            full((128, 128)),
        ],
        out_specs=[
            pl.BlockSpec((BLK_M, 4, 128), lambda i: (i, 0, 0)),
            pl.BlockSpec((BLK_M, 4, 128), lambda i: (i, 0, 0)),
        ],
        out_shape=[
            jax.ShapeDtypeStruct((M, 4, 128), jnp.int32),
            jax.ShapeDtypeStruct((M, 4, 128), jnp.float32),
        ],
    )(q2d, rp8, wox, woy, box, boy, wa, ba, selx, sely, g)


@functools.partial(jax.jit, static_argnums=())
def kernel(query, reference_points, value, spatial_shapes, level_start_index,
           W_v, b_v, W_off, b_off, W_attn, b_attn, W_out, b_out):
    del spatial_shapes, level_start_index
    f32 = jnp.float32

    q2d = jnp.transpose(query, (1, 0, 2)).reshape(M, D_MODEL)
    v2d = jnp.transpose(value, (1, 0, 2)).reshape(M, D_MODEL)
    rp8 = reference_points.reshape(M, N_LEVELS * 2)

    v_proj = _gemm_bias(v2d, W_v, b_v)
    table = (v_proj.reshape(B, LQ, N_HEADS, D_HEAD)
             .transpose(0, 2, 1, 3)
             .reshape(B * N_HEADS * LQ, D_HEAD))

    wox = W_off[:, 0::2]
    woy = W_off[:, 1::2]
    box = b_off[0::2].reshape(1, 128)
    boy = b_off[1::2].reshape(1, 128)
    lane_l = (np.arange(128) >> 2) & 3
    selx = np.zeros((8, 128), np.float32)
    sely = np.zeros((8, 128), np.float32)
    selx[lane_l * 2, np.arange(128)] = 1.0
    sely[lane_l * 2 + 1, np.arange(128)] = 1.0
    gmat = np.kron(np.eye(8, dtype=np.float32), np.ones((16, 16), np.float32))

    idx_all, w_all = _addr(q2d, rp8, wox, woy, box, boy,
                           W_attn, b_attn.reshape(1, 128),
                           jnp.asarray(selx), jnp.asarray(sely),
                           jnp.asarray(gmat))

    rows = table[idx_all.reshape(M, 512)]
    rows = rows.reshape(M, 4, N_HEADS, 16, D_HEAD)
    wr = w_all.reshape(M, 4, N_HEADS, 16)
    o = jnp.einsum("nchj,nchjd->nhd", wr, rows,
                   precision=jax.lax.Precision.HIGHEST).reshape(M, D_MODEL)

    out = _gemm_bias(o, W_out, b_out)
    return jnp.transpose(out.reshape(B, LQ, D_MODEL), (1, 0, 2)).astype(f32)

# --- scband reference (transcript-rebuilt; emitter-appended) ---
"""Pipeline reference for scband-msdeform-attn-wrapper-25735444038170 (READ-ONLY COPY).

The authoritative reference and input builder live on the scoring server;
editing this copy changes nothing except your own understanding.
"""

import jax, jax.numpy as jnp
import numpy as np

D_MODEL = 256
N_HEADS = 8
N_LEVELS = 4
N_POINTS = 4
D_HEAD = D_MODEL // N_HEADS
SPATIAL = [(64, 64), (32, 32), (16, 16), (8, 8)]
LQ = sum(h * w for h, w in SPATIAL)
B = 4


def _bilinear(img, x, y):
    # img: [N, H, W, C]; x, y: [N, P] pixel coords (align_corners=False), zero padding
    N, H, W, C = img.shape
    flat = img.reshape(N, H * W, C)
    x0 = jnp.floor(x).astype(jnp.int32); x1 = x0 + 1
    y0 = jnp.floor(y).astype(jnp.int32); y1 = y0 + 1
    wx1 = x - x0.astype(x.dtype); wx0 = 1.0 - wx1
    wy1 = y - y0.astype(y.dtype); wy0 = 1.0 - wy1
    bidx = jnp.arange(N)[:, None]

    def g(yy, xx):
        valid = ((xx >= 0) & (xx < W) & (yy >= 0) & (yy < H)).astype(img.dtype)
        xc = jnp.clip(xx, 0, W - 1)
        yc = jnp.clip(yy, 0, H - 1)
        return flat[bidx, yc * W + xc] * valid[..., None]

    return (g(y0, x0) * (wy0 * wx0)[..., None]
            + g(y0, x1) * (wy0 * wx1)[..., None]
            + g(y1, x0) * (wy1 * wx0)[..., None]
            + g(y1, x1) * (wy1 * wx1)[..., None])


def _msda_forward(query, reference_points, value, W_v, b_v, W_off, b_off, W_attn, b_attn, W_out, b_out):
    # query/value are sequence-first [L, B, C]; wrapper transposes to batch-first for MMCV
    q = jnp.transpose(query, (1, 0, 2))
    v = jnp.transpose(value, (1, 0, 2))
    rp = jnp.clip(reference_points, 1e-5, 1.0 - 1e-5)
    bs, Lq, _ = q.shape
    Lv = v.shape[1]
    v_proj = (v @ W_v + b_v).reshape(bs, Lv, N_HEADS, D_HEAD)
    offsets = (q @ W_off + b_off).reshape(bs, Lq, N_HEADS, N_LEVELS, N_POINTS, 2)
    attn = (q @ W_attn + b_attn).reshape(bs, Lq, N_HEADS, N_LEVELS * N_POINTS)
    attn = jax.nn.softmax(attn, axis=-1).reshape(bs, Lq, N_HEADS, N_LEVELS, N_POINTS)
    norm = jnp.array([[w, h] for h, w in SPATIAL], dtype=q.dtype)  # (W, H) per level
    loc = rp[:, :, None, :, None, :] + offsets / norm[None, None, None, :, None, :]
    start = 0
    per_level = []
    for (H, W) in SPATIAL:
        lvl = len(per_level)
        val_l = v_proj[:, start:start + H * W].reshape(bs, H, W, N_HEADS, D_HEAD)
        val_l = jnp.transpose(val_l, (0, 3, 1, 2, 4)).reshape(bs * N_HEADS, H, W, D_HEAD)
        loc_l = jnp.transpose(loc[:, :, :, lvl], (0, 2, 1, 3, 4)).reshape(bs * N_HEADS, Lq * N_POINTS, 2)
        x = loc_l[..., 0] * W - 0.5
        y = loc_l[..., 1] * H - 0.5
        s = _bilinear(val_l, x, y).reshape(bs, N_HEADS, Lq, N_POINTS, D_HEAD)
        per_level.append(s)
        start += H * W
    sampled = jnp.stack(per_level, axis=3)  # [bs, heads, Lq, L, P, d]
    w = jnp.transpose(attn, (0, 2, 1, 3, 4))  # [bs, heads, Lq, L, P]
    out = (sampled * w[..., None]).sum(axis=(3, 4))  # [bs, heads, Lq, d]
    out = jnp.transpose(out, (0, 2, 1, 3)).reshape(bs, Lq, D_MODEL)
    out = out @ W_out + b_out
    return jnp.transpose(out, (1, 0, 2))  # back to sequence-first


def setup_inputs(seed: int = 0):
    key = jax.random.key(seed)
    ks = jax.random.split(key, 12)
    s = 0.02
    return {
        "query": jax.random.normal(ks[0], (LQ, B, D_MODEL), jnp.float32),
        "reference_points": jax.random.uniform(ks[1], (B, LQ, N_LEVELS, 2), dtype=jnp.float32),
        "value": jax.random.normal(ks[2], (LQ, B, D_MODEL), jnp.float32),
        "spatial_shapes": jnp.array(SPATIAL, dtype=jnp.int32),
        "level_start_index": jnp.array(np.cumsum([0] + [h * w for h, w in SPATIAL])[:-1], dtype=jnp.int32),
        "W_v": jax.random.normal(ks[3], (D_MODEL, D_MODEL), jnp.float32) * s,
        "b_v": jnp.zeros((D_MODEL,), jnp.float32),
        "W_off": jax.random.normal(ks[4], (D_MODEL, N_HEADS * N_LEVELS * N_POINTS * 2), jnp.float32) * s,
        "b_off": jax.random.normal(ks[5], (N_HEADS * N_LEVELS * N_POINTS * 2,), jnp.float32) * 0.5,
        "W_attn": jax.random.normal(ks[6], (D_MODEL, N_HEADS * N_LEVELS * N_POINTS), jnp.float32) * s,
        "b_attn": jnp.zeros((N_HEADS * N_LEVELS * N_POINTS,), jnp.float32),
        "W_out": jax.random.normal(ks[7], (D_MODEL, D_MODEL), jnp.float32) * s,
        "b_out": jnp.zeros((D_MODEL,), jnp.float32),
    }


def reference(query, reference_points, value, spatial_shapes, level_start_index, W_v, b_v, W_off, b_off, W_attn, b_attn, W_out, b_out):
    return _msda_forward(query, reference_points, value, W_v, b_v, W_off, b_off, W_attn, b_attn, W_out, b_out)

if __name__ == "__main__":
    import jax
    _d = setup_inputs()
    print(jax.jit(kernel)(*tuple(_d.values())))

</pallas_src>

<mosaic_0001>
module attributes {stable_mosaic.version = 14 : i64} {
  func.func @_addr_kernel(%arg0: i32, %arg1: memref<640x256xf32, #tpu.memory_space<vmem>>, %arg2: memref<640x8xf32, #tpu.memory_space<vmem>>, %arg3: memref<256x128xf32, #tpu.memory_space<vmem>>, %arg4: memref<256x128xf32, #tpu.memory_space<vmem>>, %arg5: memref<1x128xf32, #tpu.memory_space<vmem>>, %arg6: memref<1x128xf32, #tpu.memory_space<vmem>>, %arg7: memref<256x128xf32, #tpu.memory_space<vmem>>, %arg8: memref<1x128xf32, #tpu.memory_space<vmem>>, %arg9: memref<8x128xf32, #tpu.memory_space<vmem>>, %arg10: memref<8x128xf32, #tpu.memory_space<vmem>>, %arg11: memref<128x128xf32, #tpu.memory_space<vmem>>, %arg12: memref<640x4x128xi32, #tpu.memory_space<vmem>>, %arg13: memref<640x4x128xf32, #tpu.memory_space<vmem>>) attributes {dimension_semantics = [#tpu.dimension_semantics<arbitrary>], iteration_bounds = array<i64: 34>, scalar_prefetch = 0 : i64, scratch_operands = 0 : i64, tpu.core_type = #tpu.core_type<tc>, window_params = [{transform_indices = @transform_0, window_bounds = array<i64: 640, 256>}, {transform_indices = @transform_1, window_bounds = array<i64: 640, 8>}, {pipeline_mode = #tpu.pipeline_mode<synchronous>, transform_indices = @transform_2, window_bounds = array<i64: 256, 128>}, {pipeline_mode = #tpu.pipeline_mode<synchronous>, transform_indices = @transform_3, window_bounds = array<i64: 256, 128>}, {pipeline_mode = #tpu.pipeline_mode<synchronous>, transform_indices = @transform_4, window_bounds = array<i64: 1, 128>}, {pipeline_mode = #tpu.pipeline_mode<synchronous>, transform_indices = @transform_5, window_bounds = array<i64: 1, 128>}, {pipeline_mode = #tpu.pipeline_mode<synchronous>, transform_indices = @transform_6, window_bounds = array<i64: 256, 128>}, {pipeline_mode = #tpu.pipeline_mode<synchronous>, transform_indices = @transform_7, window_bounds = array<i64: 1, 128>}, {pipeline_mode = #tpu.pipeline_mode<synchronous>, transform_indices = @transform_8, window_bounds = array<i64: 8, 128>}, {pipeline_mode = #tpu.pipeline_mode<synchronous>, transform_indices = @transform_9, window_bounds = array<i64: 8, 128>}, {pipeline_mode = #tpu.pipeline_mode<synchronous>, transform_indices = @transform_10, window_bounds = array<i64: 128, 128>}, {transform_indices = @transform_11, window_bounds = array<i64: 640, 4, 128>}, {transform_indices = @transform_12, window_bounds = array<i64: 640, 4, 128>}]} {
    %get3A = arith.constant 0 : index
    %get3A_0 = arith.constant 0 : index
    %get3A_1 = vector.load %arg1[%get3A, %get3A_0] : memref<640x256xf32, #tpu.memory_space<vmem>>, vector<640x256xf32>
    %get3A_2 = arith.constant 0 : index
    %get3A_3 = arith.constant 0 : index
    %get3A_4 = vector.load %arg7[%get3A_2, %get3A_3] : memref<256x128xf32, #tpu.memory_space<vmem>>, vector<256x128xf32>
    %dot_general3A = arith.constant dense<0.000000e+00> : vector<640x128xf32>
    %dot_general3A_5 = tpu.matmul %get3A_1, %get3A_4, %dot_general3A {dimension_numbers = #tpu.dot_dimension_numbers<[1], [0], [0], [1], [0, 0, 1, 1], [], []>, precision = #tpu.contract_precision<fp32>, transpose_lhs_hint = false} : vector<640x256xf32>, vector<256x128xf32>, vector<640x128xf32> -> vector<640x128xf32>
    %get3A_6 = arith.constant 0 : index
    %get3A_7 = arith.constant 0 : index
    %get3A_8 = vector.load %arg8[%get3A_6, %get3A_7] : memref<1x128xf32, #tpu.memory_space<vmem>>, vector<1x128xf32>
    %add3A = vector.broadcast %get3A_8 : vector<1x128xf32> to vector<640x128xf32>
    %add3A_9 = arith.addf %dot_general3A_5, %add3A : vector<640x128xf32>
    %reduce_max3A = arith.constant dense<0xFF800000> : vector<640xf32>
    %reduce_max3A_10 = vector.multi_reduction <maximumf>, %add3A_9, %reduce_max3A [1] : vector<640x128xf32> to vector<640xf32>
    %broadcast_in_dim3A = vector.shape_cast %reduce_max3A_10 : vector<640xf32> to vector<640x1xf32>
    %sub3A = vector.broadcast %broadcast_in_dim3A : vector<640x1xf32> to vector<640x128xf32>
    %sub3A_11 = arith.subf %add3A_9, %sub3A : vector<640x128xf32>
    %exp3A = math.exp %sub3A_11 : vector<640x128xf32>
    %get3A_12 = arith.constant 0 : index
    %get3A_13 = arith.constant 0 : index
    %get3A_14 = vector.load %arg11[%get3A_12, %get3A_13] : memref<128x128xf32, #tpu.memory_space<vmem>>, vector<128x128xf32>
    %dot_general3A_15 = arith.constant dense<0.000000e+00> : vector<640x128xf32>
    %dot_general3A_16 = tpu.matmul %exp3A, %get3A_14, %dot_general3A_15 {dimension_numbers = #tpu.dot_dimension_numbers<[1], [0], [0], [1], [0, 0, 1, 1], [], []>, precision = #tpu.contract_precision<fp32>, transpose_lhs_hint = false} : vector<640x128xf32>, vector<128x128xf32>, vector<640x128xf32> -> vector<640x128xf32>
    %div3A = arith.divf %exp3A, %dot_general3A_16 : vector<640x128xf32>
    %get3A_17 = arith.constant 0 : index
    %get3A_18 = arith.constant 0 : index
    %get3A_19 = vector.load %arg3[%get3A_17, %get3A_18] : memref<256x128xf32, #tpu.memory_space<vmem>>, vector<256x128xf32>
    %dot_general3A_20 = arith.constant dense<0.000000e+00> : vector<640x128xf32>
    %dot_general3A_21 = tpu.matmul %get3A_1, %get3A_19, %dot_general3A_20 {dimension_numbers = #tpu.dot_dimension_numbers<[1], [0], [0], [1], [0, 0, 1, 1], [], []>, precision = #tpu.contract_precision<fp32>, transpose_lhs_hint = false} : vector<640x256xf32>, vector<256x128xf32>, vector<640x128xf32> -> vector<640x128xf32>
    %get3A_22 = arith.constant 0 : index
    %get3A_23 = arith.constant 0 : index
    %get3A_24 = vector.load %arg5[%get3A_22, %get3A_23] : memref<1x128xf32, #tpu.memory_space<vmem>>, vector<1x128xf32>
    %add3A_25 = vector.broadcast %get3A_24 : vector<1x128xf32> to vector<640x128xf32>
    %add3A_26 = arith.addf %dot_general3A_21, %add3A_25 : vector<640x128xf32>
    %get3A_27 = arith.constant 0 : index
    %get3A_28 = arith.constant 0 : index
    %get3A_29 = vector.load %arg4[%get3A_27, %get3A_28] : memref<256x128xf32, #tpu.memory_space<vmem>>, vector<256x128xf32>
    %dot_general3A_30 = arith.constant dense<0.000000e+00> : vector<640x128xf32>
    %dot_general3A_31 = tpu.matmul %get3A_1, %get3A_29, %dot_general3A_30 {dimension_numbers = #tpu.dot_dimension_numbers<[1], [0], [0], [1], [0, 0, 1, 1], [], []>, precision = #tpu.contract_precision<fp32>, transpose_lhs_hint = false} : vector<640x256xf32>, vector<256x128xf32>, vector<640x128xf32> -> vector<640x128xf32>
    %get3A_32 = arith.constant 0 : index
    %get3A_33 = arith.constant 0 : index
    %get3A_34 = vector.load %arg6[%get3A_32, %get3A_33] : memref<1x128xf32, #tpu.memory_space<vmem>>, vector<1x128xf32>
    %add3A_35 = vector.broadcast %get3A_34 : vector<1x128xf32> to vector<640x128xf32>
    %add3A_36 = arith.addf %dot_general3A_31, %add3A_35 : vector<640x128xf32>
    %get3A_37 = arith.constant 0 : index
    %get3A_38 = arith.constant 0 : index
    %get3A_39 = vector.load %arg2[%get3A_37, %get3A_38] : memref<640x8xf32, #tpu.memory_space<vmem>>, vector<640x8xf32>
    %get3A_40 = arith.constant 0 : index
    %get3A_41 = arith.constant 0 : index
    %get3A_42 = vector.load %arg9[%get3A_40, %get3A_41] : memref<8x128xf32, #tpu.memory_space<vmem>>, vector<8x128xf32>
    %dot_general3A_43 = arith.constant dense<0.000000e+00> : vector<640x128xf32>
    %dot_general3A_44 = tpu.matmul %get3A_39, %get3A_42, %dot_general3A_43 {dimension_numbers = #tpu.dot_dimension_numbers<[1], [0], [0], [1], [0, 0, 1, 1], [], []>, precision = #tpu.contract_precision<fp32>, transpose_lhs_hint = false} : vector<640x8xf32>, vector<8x128xf32>, vector<640x128xf32> -> vector<640x128xf32>
    %get3A_45 = arith.constant 0 : index
    %get3A_46 = arith.constant 0 : index
    %get3A_47 = vector.load %arg10[%get3A_45, %get3A_46] : memref<8x128xf32, #tpu.memory_space<vmem>>, vector<8x128xf32>
    %dot_general3A_48 = arith.constant dense<0.000000e+00> : vector<640x128xf32>
    %dot_general3A_49 = tpu.matmul %get3A_39, %get3A_47, %dot_general3A_48 {dimension_numbers = #tpu.dot_dimension_numbers<[1], [0], [0], [1], [0, 0, 1, 1], [], []>, precision = #tpu.contract_precision<fp32>, transpose_lhs_hint = false} : vector<640x8xf32>, vector<8x128xf32>, vector<640x128xf32> -> vector<640x128xf32>
    %jit3A = arith.constant 9.99999974E-6 : f32
    %jit3A_50 = arith.constant 0.999989986 : f32
    %max3A = vector.broadcast %jit3A : f32 to vector<640x128xf32>
    %max3A_51 = arith.maximumf %max3A, %dot_general3A_44 : vector<640x128xf32>
    %min3A = vector.broadcast %jit3A_50 : f32 to vector<640x128xf32>
    %min3A_52 = arith.minimumf %min3A, %max3A_51 : vector<640x128xf32>
    %jit3A_53 = arith.constant 9.99999974E-6 : f32
    %jit3A_54 = arith.constant 0.999989986 : f32
    %max3A_55 = vector.broadcast %jit3A_53 : f32 to vector<640x128xf32>
    %max3A_56 = arith.maximumf %max3A_55, %dot_general3A_49 : vector<640x128xf32>
    %min3A_57 = vector.broadcast %jit3A_54 : f32 to vector<640x128xf32>
    %min3A_58 = arith.minimumf %min3A_57, %max3A_56 : vector<640x128xf32>
    %iota3A = tpu.iota {dimensions = array<i32: 1>} : vector<640x128xi32>
    %shift_right_arithmetic3A = arith.constant 4 : i32
    %shift_right_arithmetic3A_59 = vector.broadcast %shift_right_arithmetic3A : i32 to vector<640x128xi32>
    %shift_right_arithmetic3A_60 = arith.shrsi %iota3A, %shift_right_arithmetic3A_59 : vector<640x128xi32>
    %shift_right_arithmetic3A_61 = arith.constant 2 : i32
    %shift_right_arithmetic3A_62 = vector.broadcast %shift_right_arithmetic3A_61 : i32 to vector<640x128xi32>
    %shift_right_arithmetic3A_63 = arith.shrsi %iota3A, %shift_right_arithmetic3A_62 : vector<640x128xi32>
    %and3A = arith.constant 3 : i32
    %and3A_64 = vector.broadcast %and3A : i32 to vector<640x128xi32>
    %and3A_65 = arith.andi %shift_right_arithmetic3A_63, %and3A_64 : vector<640x128xi32>
    %eq3A = arith.constant 0 : i32
    %eq3A_66 = vector.broadcast %eq3A : i32 to vector<640x128xi32>
    %eq3A_67 = arith.cmpi eq, %and3A_65, %eq3A_66 : vector<640x128xi32>
    %eq3A_68 = arith.constant 1 : i32
    %eq3A_69 = vector.broadcast %eq3A_68 : i32 to vector<640x128xi32>
    %eq3A_70 = arith.cmpi eq, %and3A_65, %eq3A_69 : vector<640x128xi32>
    %eq3A_71 = arith.constant 2 : i32
    %eq3A_72 = vector.broadcast %eq3A_71 : i32 to vector<640x128xi32>
    %eq3A_73 = arith.cmpi eq, %and3A_65, %eq3A_72 : vector<640x128xi32>
    %jit3A_74 = arith.constant 1.600000e+01 : f32
    %jit3A_75 = arith.constant 8.000000e+00 : f32
    %broadcast_in_dim3A_76 = vector.broadcast %jit3A_74 : f32 to vector<640x128xf32>
    %broadcast_in_dim3A_77 = vector.broadcast %jit3A_75 : f32 to vector<640x128xf32>
    %select_n3A = arith.select %eq3A_73, %broadcast_in_dim3A_76, %broadcast_in_dim3A_77 : vector<640x128xi1>, vector<640x128xf32>
    %jit3A_78 = arith.constant 3.200000e+01 : f32
    %broadcast_in_dim3A_79 = vector.broadcast %jit3A_78 : f32 to vector<640x128xf32>
    %select_n3A_80 = arith.select %eq3A_70, %broadcast_in_dim3A_79, %select_n3A : vector<640x128xi1>, vector<640x128xf32>
    %jit3A_81 = arith.constant 6.400000e+01 : f32
    %broadcast_in_dim3A_82 = vector.broadcast %jit3A_81 : f32 to vector<640x128xf32>
    %select_n3A_83 = arith.select %eq3A_67, %broadcast_in_dim3A_82, %select_n3A_80 : vector<640x128xi1>, vector<640x128xf32>
    %eq3A_84 = arith.constant 0 : i32
    %eq3A_85 = vector.broadcast %eq3A_84 : i32 to vector<640x128xi32>
    %eq3A_86 = arith.cmpi eq, %and3A_65, %eq3A_85 : vector<640x128xi32>
    %eq3A_87 = arith.constant 1 : i32
    %eq3A_88 = vector.broadcast %eq3A_87 : i32 to vector<640x128xi32>
    %eq3A_89 = arith.cmpi eq, %and3A_65, %eq3A_88 : vector<640x128xi32>
    %eq3A_90 = arith.constant 2 : i32
    %eq3A_91 = vector.broadcast %eq3A_90 : i32 to vector<640x128xi32>
    %eq3A_92 = arith.cmpi eq, %and3A_65, %eq3A_91 : vector<640x128xi32>
    %jit3A_93 = arith.constant 5.120000e+03 : f32
    %jit3A_94 = arith.constant 5.376000e+03 : f32
    %broadcast_in_dim3A_95 = vector.broadcast %jit3A_93 : f32 to vector<640x128xf32>
    %broadcast_in_dim3A_96 = vector.broadcast %jit3A_94 : f32 to vector<640x128xf32>
    %select_n3A_97 = arith.select %eq3A_92, %broadcast_in_dim3A_95, %broadcast_in_dim3A_96 : vector<640x128xi1>, vector<640x128xf32>
    %jit3A_98 = arith.constant 4.096000e+03 : f32
    %broadcast_in_dim3A_99 = vector.broadcast %jit3A_98 : f32 to vector<640x128xf32>
    %select_n3A_100 = arith.select %eq3A_89, %broadcast_in_dim3A_99, %select_n3A_97 : vector<640x128xi1>, vector<640x128xf32>
    %jit3A_101 = arith.constant 0.000000e+00 : f32
    %broadcast_in_dim3A_102 = vector.broadcast %jit3A_101 : f32 to vector<640x128xf32>
    %select_n3A_103 = arith.select %eq3A_86, %broadcast_in_dim3A_102, %select_n3A_100 : vector<640x128xi1>, vector<640x128xf32>
    %mul3A = arith.constant 640 : i32
    %mul3A_104 = arith.muli %arg0, %mul3A : i32
    %iota3A_105 = tpu.iota {dimensions = array<i32: 0>} : vector<640x128xi32>
    %add3A_106 = vector.broadcast %mul3A_104 : i32 to vector<640x128xi32>
    %add3A_107 = arith.addi %add3A_106, %iota3A_105 : vector<640x128xi32>
    %convert_element_type3A = arith.sitofp %add3A_107 : vector<640x128xi32> to vector<640x128xf32>
    %add3A_108 = arith.constant 5.000000e-01 : f32
    %add3A_109 = vector.broadcast %add3A_108 : f32 to vector<640x128xf32>
    %add3A_110 = arith.addf %convert_element_type3A, %add3A_109 : vector<640x128xf32>
    %mul3A_111 = arith.constant 1.83823533E-4 : f32
    %mul3A_112 = vector.broadcast %mul3A_111 : f32 to vector<640x128xf32>
    %mul3A_113 = arith.mulf %add3A_110, %mul3A_112 : vector<640x128xf32>
    %floor3A = math.floor %mul3A_113 : vector<640x128xf32>
    %mul3A_114 = arith.constant 8.000000e+00 : f32
    %mul3A_115 = vector.broadcast %mul3A_114 : f32 to vector<640x128xf32>
    %mul3A_116 = arith.mulf %floor3A, %mul3A_115 : vector<640x128xf32>
    %convert_element_type3A_117 = arith.sitofp %shift_right_arithmetic3A_60 : vector<640x128xi32> to vector<640x128xf32>
    %add3A_118 = arith.addf %mul3A_116, %convert_element_type3A_117 : vector<640x128xf32>
    %mul3A_119 = arith.constant 5.440000e+03 : f32
    %mul3A_120 = vector.broadcast %mul3A_119 : f32 to vector<640x128xf32>
    %mul3A_121 = arith.mulf %add3A_118, %mul3A_120 : vector<640x128xf32>
    %add3A_122 = arith.addf %mul3A_121, %select_n3A_103 : vector<640x128xf32>
    %mul3A_123 = arith.mulf %min3A_52, %select_n3A_83 : vector<640x128xf32>
    %add3A_124 = arith.addf %mul3A_123, %add3A_26 : vector<640x128xf32>
    %sub3A_125 = arith.constant 5.000000e-01 : f32
    %sub3A_126 = vector.broadcast %sub3A_125 : f32 to vector<640x128xf32>
    %sub3A_127 = arith.subf %add3A_124, %sub3A_126 : vector<640x128xf32>
    %mul3A_128 = arith.mulf %min3A_58, %select_n3A_83 : vector<640x128xf32>
    %add3A_129 = arith.addf %mul3A_128, %add3A_36 : vector<640x128xf32>
    %sub3A_130 = arith.constant 5.000000e-01 : f32
    %sub3A_131 = vector.broadcast %sub3A_130 : f32 to vector<640x128xf32>
    %sub3A_132 = arith.subf %add3A_129, %sub3A_131 : vector<640x128xf32>
    %floor3A_133 = math.floor %sub3A_127 : vector<640x128xf32>
    %floor3A_134 = math.floor %sub3A_132 : vector<640x128xf32>
    %sub3A_135 = arith.subf %sub3A_127, %floor3A_133 : vector<640x128xf32>
    %sub3A_136 = arith.subf %sub3A_132, %floor3A_134 : vector<640x128xf32>
    %add3A_137 = arith.constant 0.000000e+00 : f32
    %add3A_138 = vector.broadcast %add3A_137 : f32 to vector<640x128xf32>
    %add3A_139 = arith.addf %floor3A_133, %add3A_138 : vector<640x128xf32>
    %sub3A_140 = arith.constant 1.000000e+00 : f32
    %sub3A_141 = vector.broadcast %sub3A_140 : f32 to vector<640x128xf32>
    %sub3A_142 = arith.subf %sub3A_141, %sub3A_135 : vector<640x128xf32>
    %ge3A = arith.constant 0.000000e+00 : f32
    %ge3A_143 = vector.broadcast %ge3A : f32 to vector<640x128xf32>
    %ge3A_144 = arith.cmpf oge, %add3A_139, %ge3A_143 : vector<640x128xf32>
    %sub3A_145 = arith.constant 1.000000e+00 : f32
    %sub3A_146 = vector.broadcast %sub3A_145 : f32 to vector<640x128xf32>
    %sub3A_147 = arith.subf %select_n3A_83, %sub3A_146 : vector<640x128xf32>
    %le3A = arith.cmpf ole, %add3A_139, %sub3A_147 : vector<640x128xf32>
    %and3A_148 = arith.andi %ge3A_144, %le3A : vector<640x128xi1>
    %sub3A_149 = arith.constant 1.000000e+00 : f32
    %sub3A_150 = vector.broadcast %sub3A_149 : f32 to vector<640x128xf32>
    %sub3A_151 = arith.subf %select_n3A_83, %sub3A_150 : vector<640x128xf32>
    %jit3A_152 = arith.constant 0.000000e+00 : f32
    %max3A_153 = vector.broadcast %jit3A_152 : f32 to vector<640x128xf32>
    %max3A_154 = arith.maximumf %max3A_153, %add3A_139 : vector<640x128xf32>
    %min3A_155 = arith.minimumf %sub3A_151, %max3A_154 : vector<640x128xf32>
    %jit3A_156 = arith.constant 0.000000e+00 : f32
    %broadcast_in_dim3A_157 = vector.broadcast %jit3A_156 : f32 to vector<640x128xf32>
    %select_n3A_158 = arith.select %and3A_148, %sub3A_142, %broadcast_in_dim3A_157 : vector<640x128xi1>, vector<640x128xf32>
    %add3A_159 = arith.constant 1.000000e+00 : f32
    %add3A_160 = vector.broadcast %add3A_159 : f32 to vector<640x128xf32>
    %add3A_161 = arith.addf %floor3A_133, %add3A_160 : vector<640x128xf32>
    %ge3A_162 = arith.constant 0.000000e+00 : f32
    %ge3A_163 = vector.broadcast %ge3A_162 : f32 to vector<640x128xf32>
    %ge3A_164 = arith.cmpf oge, %add3A_161, %ge3A_163 : vector<640x128xf32>
    %sub3A_165 = arith.constant 1.000000e+00 : f32
    %sub3A_166 = vector.broadcast %sub3A_165 : f32 to vector<640x128xf32>
    %sub3A_167 = arith.subf %select_n3A_83, %sub3A_166 : vector<640x128xf32>
    %le3A_168 = arith.cmpf ole, %add3A_161, %sub3A_167 : vector<640x128xf32>
    %and3A_169 = arith.andi %ge3A_164, %le3A_168 : vector<640x128xi1>
    %sub3A_170 = arith.constant 1.000000e+00 : f32
    %sub3A_171 = vector.broadcast %sub3A_170 : f32 to vector<640x128xf32>
    %sub3A_172 = arith.subf %select_n3A_83, %sub3A_171 : vector<640x128xf32>
    %jit3A_173 = arith.constant 0.000000e+00 : f32
    %max3A_174 = vector.broadcast %jit3A_173 : f32 to vector<640x128xf32>
    %max3A_175 = arith.maximumf %max3A_174, %add3A_161 : vector<640x128xf32>
    %min3A_176 = arith.minimumf %sub3A_172, %max3A_175 : vector<640x128xf32>
    %jit3A_177 = arith.constant 0.000000e+00 : f32
    %broadcast_in_dim3A_178 = vector.broadcast %jit3A_177 : f32 to vector<640x128xf32>
    %select_n3A_179 = arith.select %and3A_169, %sub3A_135, %broadcast_in_dim3A_178 : vector<640x128xi1>, vector<640x128xf32>
    %add3A_180 = arith.constant 0.000000e+00 : f32
    %add3A_181 = vector.broadcast %add3A_180 : f32 to vector<640x128xf32>
    %add3A_182 = arith.addf %floor3A_134, %add3A_181 : vector<640x128xf32>
    %sub3A_183 = arith.constant 1.000000e+00 : f32
    %sub3A_184 = vector.broadcast %sub3A_183 : f32 to vector<640x128xf32>
    %sub3A_185 = arith.subf %sub3A_184, %sub3A_136 : vector<640x128xf32>
    %ge3A_186 = arith.constant 0.000000e+00 : f32
    %ge3A_187 = vector.broadcast %ge3A_186 : f32 to vector<640x128xf32>
    %ge3A_188 = arith.cmpf oge, %add3A_182, %ge3A_187 : vector<640x128xf32>
    %sub3A_189 = arith.constant 1.000000e+00 : f32
    %sub3A_190 = vector.broadcast %sub3A_189 : f32 to vector<640x128xf32>
    %sub3A_191 = arith.subf %select_n3A_83, %sub3A_190 : vector<640x128xf32>
    %le3A_192 = arith.cmpf ole, %add3A_182, %sub3A_191 : vector<640x128xf32>
    %and3A_193 = arith.andi %ge3A_188, %le3A_192 : vector<640x128xi1>
    %sub3A_194 = arith.constant 1.000000e+00 : f32
    %sub3A_195 = vector.broadcast %sub3A_194 : f32 to vector<640x128xf32>
    %sub3A_196 = arith.subf %select_n3A_83, %sub3A_195 : vector<640x128xf32>
    %jit3A_197 = arith.constant 0.000000e+00 : f32
    %max3A_198 = vector.broadcast %jit3A_197 : f32 to vector<640x128xf32>
    %max3A_199 = arith.maximumf %max3A_198, %add3A_182 : vector<640x128xf32>
    %min3A_200 = arith.minimumf %sub3A_196, %max3A_199 : vector<640x128xf32>
    %jit3A_201 = arith.constant 0.000000e+00 : f32
    %broadcast_in_dim3A_202 = vector.broadcast %jit3A_201 : f32 to vector<640x128xf32>
    %select_n3A_203 = arith.select %and3A_193, %sub3A_185, %broadcast_in_dim3A_202 : vector<640x128xi1>, vector<640x128xf32>
    %add3A_204 = arith.constant 1.000000e+00 : f32
    %add3A_205 = vector.broadcast %add3A_204 : f32 to vector<640x128xf32>
    %add3A_206 = arith.addf %floor3A_134, %add3A_205 : vector<640x128xf32>
    %ge3A_207 = arith.constant 0.000000e+00 : f32
    %ge3A_208 = vector.broadcast %ge3A_207 : f32 to vector<640x128xf32>
    %ge3A_209 = arith.cmpf oge, %add3A_206, %ge3A_208 : vector<640x128xf32>
    %sub3A_210 = arith.constant 1.000000e+00 : f32
    %sub3A_211 = vector.broadcast %sub3A_210 : f32 to vector<640x128xf32>
    %sub3A_212 = arith.subf %select_n3A_83, %sub3A_211 : vector<640x128xf32>
    %le3A_213 = arith.cmpf ole, %add3A_206, %sub3A_212 : vector<640x128xf32>
    %and3A_214 = arith.andi %ge3A_209, %le3A_213 : vector<640x128xi1>
    %sub3A_215 = arith.constant 1.000000e+00 : f32
    %sub3A_216 = vector.broadcast %sub3A_215 : f32 to vector<640x128xf32>
    %sub3A_217 = arith.subf %select_n3A_83, %sub3A_216 : vector<640x128xf32>
    %jit3A_218 = arith.constant 0.000000e+00 : f32
    %max3A_219 = vector.broadcast %jit3A_218 : f32 to vector<640x128xf32>
    %max3A_220 = arith.maximumf %max3A_219, %add3A_206 : vector<640x128xf32>
    %min3A_221 = arith.minimumf %sub3A_217, %max3A_220 : vector<640x128xf32>
    %jit3A_222 = arith.constant 0.000000e+00 : f32
    %broadcast_in_dim3A_223 = vector.broadcast %jit3A_222 : f32 to vector<640x128xf32>
    %select_n3A_224 = arith.select %and3A_214, %sub3A_136, %broadcast_in_dim3A_223 : vector<640x128xi1>, vector<640x128xf32>
    %mul3A_225 = arith.mulf %select_n3A_203, %select_n3A_158 : vector<640x128xf32>
    %mul3A_226 = arith.mulf %select_n3A_203, %select_n3A_179 : vector<640x128xf32>
    %mul3A_227 = arith.mulf %select_n3A_224, %select_n3A_158 : vector<640x128xf32>
    %mul3A_228 = arith.mulf %select_n3A_224, %select_n3A_179 : vector<640x128xf32>
    %mul3A_229 = arith.mulf %min3A_200, %select_n3A_83 : vector<640x128xf32>
    %add3A_230 = arith.addf %add3A_122, %mul3A_229 : vector<640x128xf32>
    %add3A_231 = arith.addf %add3A_230, %min3A_155 : vector<640x128xf32>
    %convert_element_type3A_232 = arith.fptosi %add3A_231 : vector<640x128xf32> to vector<640x128xi32>
    %swap3A = arith.constant 0 : index
    %swap3A_233 = arith.constant 0 : index
    %swap3A_234 = arith.constant 0 : index
    %swap3A_235 = vector.load %arg12[%swap3A, %swap3A_233, %swap3A_234] : memref<640x4x128xi32, #tpu.memory_space<vmem>>, vector<640x1x128xi32>
    %swap3A_236 = vector.shape_cast %swap3A_235 : vector<640x1x128xi32> to vector<640x128xi32>
    %swap3A_237 = vector.shape_cast %convert_element_type3A_232 : vector<640x128xi32> to vector<640x1x128xi32>
    tpu.vector_store %arg12[%swap3A, %swap3A_233, %swap3A_234], %swap3A_237 {strides = array<i32>} : memref<640x4x128xi32, #tpu.memory_space<vmem>>, vector<640x1x128xi32>,
    %mul3A_238 = arith.mulf %mul3A_225, %div3A : vector<640x128xf32>
    %swap3A_239 = arith.constant 0 : index
    %swap3A_240 = arith.constant 0 : index
    %swap3A_241 = arith.constant 0 : index
    %swap3A_242 = vector.load %arg13[%swap3A_239, %swap3A_240, %swap3A_241] : memref<640x4x128xf32, #tpu.memory_space<vmem>>, vector<640x1x128xf32>
    %swap3A_243 = vector.shape_cast %swap3A_242 : vector<640x1x128xf32> to vector<640x128xf32>
    %swap3A_244 = vector.shape_cast %mul3A_238 : vector<640x128xf32> to vector<640x1x128xf32>
    tpu.vector_store %arg13[%swap3A_239, %swap3A_240, %swap3A_241], %swap3A_244 {strides = array<i32>} : memref<640x4x128xf32, #tpu.memory_space<vmem>>, vector<640x1x128xf32>,
    %mul3A_245 = arith.mulf %min3A_200, %select_n3A_83 : vector<640x128xf32>
    %add3A_246 = arith.addf %add3A_122, %mul3A_245 : vector<640x128xf32>
    %add3A_247 = arith.addf %add3A_246, %min3A_176 : vector<640x128xf32>
    %convert_element_type3A_248 = arith.fptosi %add3A_247 : vector<640x128xf32> to vector<640x128xi32>
    %swap3A_249 = arith.constant 0 : index
    %swap3A_250 = arith.constant 1 : index
    %swap3A_251 = arith.constant 0 : index
    %swap3A_252 = vector.load %arg12[%swap3A_249, %swap3A_250, %swap3A_251] : memref<640x4x128xi32, #tpu.memory_space<vmem>>, vector<640x1x128xi32>
    %swap3A_253 = vector.shape_cast %swap3A_252 : vector<640x1x128xi32> to vector<640x128xi32>
    %swap3A_254 = vector.shape_cast %convert_element_type3A_248 : vector<640x128xi32> to vector<640x1x128xi32>
    tpu.vector_store %arg12[%swap3A_249, %swap3A_250, %swap3A_251], %swap3A_254 {strides = array<i32>} : memref<640x4x128xi32, #tpu.memory_space<vmem>>, vector<640x1x128xi32>,
    %mul3A_255 = arith.mulf %mul3A_226, %div3A : vector<640x128xf32>
    %swap3A_256 = arith.constant 0 : index
    %swap3A_257 = arith.constant 1 : index
    %swap3A_258 = arith.constant 0 : index
    %swap3A_259 = vector.load %arg13[%swap3A_256, %swap3A_257, %swap3A_258] : memref<640x4x128xf32, #tpu.memory_space<vmem>>, vector<640x1x128xf32>
    %swap3A_260 = vector.shape_cast %swap3A_259 : vector<640x1x128xf32> to vector<640x128xf32>
    %swap3A_261 = vector.shape_cast %mul3A_255 : vector<640x128xf32> to vector<640x1x128xf32>
    tpu.vector_store %arg13[%swap3A_256, %swap3A_257, %swap3A_258], %swap3A_261 {strides = array<i32>} : memref<640x4x128xf32, #tpu.memory_space<vmem>>, vector<640x1x128xf32>,
    %mul3A_262 = arith.mulf %min3A_221, %select_n3A_83 : vector<640x128xf32>
    %add3A_263 = arith.addf %add3A_122, %mul3A_262 : vector<640x128xf32>
    %add3A_264 = arith.addf %add3A_263, %min3A_155 : vector<640x128xf32>
    %convert_element_type3A_265 = arith.fptosi %add3A_264 : vector<640x128xf32> to vector<640x128xi32>
    %swap3A_266 = arith.constant 0 : index
    %swap3A_267 = arith.constant 2 : index
    %swap3A_268 = arith.constant 0 : index
    %swap3A_269 = vector.load %arg12[%swap3A_266, %swap3A_267, %swap3A_268] : memref<640x4x128xi32, #tpu.memory_space<vmem>>, vector<640x1x128xi32>
    %swap3A_270 = vector.shape_cast %swap3A_269 : vector<640x1x128xi32> to vector<640x128xi32>
    %swap3A_271 = vector.shape_cast %convert_element_type3A_265 : vector<640x128xi32> to vector<640x1x128xi32>
    tpu.vector_store %arg12[%swap3A_266, %swap3A_267, %swap3A_268], %swap3A_271 {strides = array<i32>} : memref<640x4x128xi32, #tpu.memory_space<vmem>>, vector<640x1x128xi32>,
    %mul3A_272 = arith.mulf %mul3A_227, %div3A : vector<640x128xf32>
    %swap3A_273 = arith.constant 0 : index
    %swap3A_274 = arith.constant 2 : index
    %swap3A_275 = arith.constant 0 : index
    %swap3A_276 = vector.load %arg13[%swap3A_273, %swap3A_274, %swap3A_275] : memref<640x4x128xf32, #tpu.memory_space<vmem>>, vector<640x1x128xf32>
    %swap3A_277 = vector.shape_cast %swap3A_276 : vector<640x1x128xf32> to vector<640x128xf32>
    %swap3A_278 = vector.shape_cast %mul3A_272 : vector<640x128xf32> to vector<640x1x128xf32>
    tpu.vector_store %arg13[%swap3A_273, %swap3A_274, %swap3A_275], %swap3A_278 {strides = array<i32>} : memref<640x4x128xf32, #tpu.memory_space<vmem>>, vector<640x1x128xf32>,
    %mul3A_279 = arith.mulf %min3A_221, %select_n3A_83 : vector<640x128xf32>
    %add3A_280 = arith.addf %add3A_122, %mul3A_279 : vector<640x128xf32>
    %add3A_281 = arith.addf %add3A_280, %min3A_176 : vector<640x128xf32>
    %convert_element_type3A_282 = arith.fptosi %add3A_281 : vector<640x128xf32> to vector<640x128xi32>
    %swap3A_283 = arith.constant 0 : index
    %swap3A_284 = arith.constant 3 : index
    %swap3A_285 = arith.constant 0 : index
    %swap3A_286 = vector.load %arg12[%swap3A_283, %swap3A_284, %swap3A_285] : memref<640x4x128xi32, #tpu.memory_space<vmem>>, vector<640x1x128xi32>
    %swap3A_287 = vector.shape_cast %swap3A_286 : vector<640x1x128xi32> to vector<640x128xi32>
    %swap3A_288 = vector.shape_cast %convert_element_type3A_282 : vector<640x128xi32> to vector<640x1x128xi32>
    tpu.vector_store %arg12[%swap3A_283, %swap3A_284, %swap3A_285], %swap3A_288 {strides = array<i32>} : memref<640x4x128xi32, #tpu.memory_space<vmem>>, vector<640x1x128xi32>,
    %mul3A_289 = arith.mulf %mul3A_228, %div3A : vector<640x128xf32>
    %swap3A_290 = arith.constant 0 : index
    %swap3A_291 = arith.constant 3 : index
    %swap3A_292 = arith.constant 0 : index
    %swap3A_293 = vector.load %arg13[%swap3A_290, %swap3A_291, %swap3A_292] : memref<640x4x128xf32, #tpu.memory_space<vmem>>, vector<640x1x128xf32>
    %swap3A_294 = vector.shape_cast %swap3A_293 : vector<640x1x128xf32> to vector<640x128xf32>
    %swap3A_295 = vector.shape_cast %mul3A_289 : vector<640x128xf32> to vector<640x1x128xf32>
    tpu.vector_store %arg13[%swap3A_290, %swap3A_291, %swap3A_292], %swap3A_295 {strides = array<i32>} : memref<640x4x128xf32, #tpu.memory_space<vmem>>, vector<640x1x128xf32>,
    return
  }
  func.func @transform_0(%arg0: i32) -> (i32, i32) {
    %c0_i32 = arith.constant 0 : i32
    %c0_i32_0 = arith.constant 0 : i32
    return %arg0, %c0_i32 : i32, i32
  }
  func.func @transform_1(%arg0: i32) -> (i32, i32) {
    %c0_i32 = arith.constant 0 : i32
    %c0_i32_0 = arith.constant 0 : i32
    return %arg0, %c0_i32 : i32, i32
  }
  func.func @transform_2(%arg0: i32) -> (i32, i32) {
    %c0_i32 = arith.constant 0 : i32
    %c0_i32_0 = arith.constant 0 : i32
    %c0_i32_1 = arith.constant 0 : i32
    return %c0_i32, %c0_i32_0 : i32, i32
  }
  func.func @transform_3(%arg0: i32) -> (i32, i32) {
    %c0_i32 = arith.constant 0 : i32
    %c0_i32_0 = arith.constant 0 : i32
    %c0_i32_1 = arith.constant 0 : i32
    return %c0_i32, %c0_i32_0 : i32, i32
  }
  func.func @transform_4(%arg0: i32) -> (i32, i32) {
    %c0_i32 = arith.constant 0 : i32
    %c0_i32_0 = arith.constant 0 : i32
    %c0_i32_1 = arith.constant 0 : i32
    return %c0_i32, %c0_i32_0 : i32, i32
  }
  func.func @transform_5(%arg0: i32) -> (i32, i32) {
    %c0_i32 = arith.constant 0 : i32
    %c0_i32_0 = arith.constant 0 : i32
    %c0_i32_1 = arith.constant 0 : i32
    return %c0_i32, %c0_i32_0 : i32, i32
  }
  func.func @transform_6(%arg0: i32) -> (i32, i32) {
    %c0_i32 = arith.constant 0 : i32
    %c0_i32_0 = arith.constant 0 : i32
    %c0_i32_1 = arith.constant 0 : i32
    return %c0_i32, %c0_i32_0 : i32, i32
  }
  func.func @transform_7(%arg0: i32) -> (i32, i32) {
    %c0_i32 = arith.constant 0 : i32
    %c0_i32_0 = arith.constant 0 : i32
    %c0_i32_1 = arith.constant 0 : i32
    return %c0_i32, %c0_i32_0 : i32, i32
  }
  func.func @transform_8(%arg0: i32) -> (i32, i32) {
    %c0_i32 = arith.constant 0 : i32
    %c0_i32_0 = arith.constant 0 : i32
    %c0_i32_1 = arith.constant 0 : i32
    return %c0_i32, %c0_i32_0 : i32, i32
  }
  func.func @transform_9(%arg0: i32) -> (i32, i32) {
    %c0_i32 = arith.constant 0 : i32
    %c0_i32_0 = arith.constant 0 : i32
    %c0_i32_1 = arith.constant 0 : i32
    return %c0_i32, %c0_i32_0 : i32, i32
  }
  func.func @transform_10(%arg0: i32) -> (i32, i32) {
    %c0_i32 = arith.constant 0 : i32
    %c0_i32_0 = arith.constant 0 : i32
    %c0_i32_1 = arith.constant 0 : i32
    return %c0_i32, %c0_i32_0 : i32, i32
  }
  func.func @transform_11(%arg0: i32) -> (i32, i32, i32) {
    %c0_i32 = arith.constant 0 : i32
    %c0_i32_0 = arith.constant 0 : i32
    %c0_i32_1 = arith.constant 0 : i32
    return %arg0, %c0_i32, %c0_i32_0 : i32, i32, i32
  }
  func.func @transform_12(%arg0: i32) -> (i32, i32, i32) {
    %c0_i32 = arith.constant 0 : i32
    %c0_i32_0 = arith.constant 0 : i32
    %c0_i32_1 = arith.constant 0 : i32
    return %arg0, %c0_i32, %c0_i32_0 : i32, i32, i32
  }
}

module attributes {stable_mosaic.version = 14 : i64} {
  func.func @_gemm_bias_kernel(%arg0: i32, %arg1: memref<640x256xf32, #tpu.memory_space<vmem>>, %arg2: memref<256x256xf32, #tpu.memory_space<vmem>>, %arg3: memref<1x256xf32, #tpu.memory_space<vmem>>, %arg4: memref<640x256xf32, #tpu.memory_space<vmem>>) attributes {dimension_semantics = [#tpu.dimension_semantics<arbitrary>], iteration_bounds = array<i64: 34>, scalar_prefetch = 0 : i64, scratch_operands = 0 : i64, tpu.core_type = #tpu.core_type<tc>, window_params = [{transform_indices = @transform_0, window_bounds = array<i64: 640, 256>}, {pipeline_mode = #tpu.pipeline_mode<synchronous>, transform_indices = @transform_1, window_bounds = array<i64: 256, 256>}, {pipeline_mode = #tpu.pipeline_mode<synchronous>, transform_indices = @transform_2, window_bounds = array<i64: 1, 256>}, {transform_indices = @transform_3, window_bounds = array<i64: 640, 256>}]} {
    %get3A = arith.constant 0 : index
    %get3A_0 = arith.constant 0 : index
    %get3A_1 = vector.load %arg1[%get3A, %get3A_0] : memref<640x256xf32, #tpu.memory_space<vmem>>, vector<640x256xf32>
    %get3A_2 = arith.constant 0 : index
    %get3A_3 = arith.constant 0 : index
    %get3A_4 = vector.load %arg2[%get3A_2, %get3A_3] : memref<256x256xf32, #tpu.memory_space<vmem>>, vector<256x256xf32>
    %dot_general3A = arith.constant dense<0.000000e+00> : vector<640x256xf32>
    %dot_general3A_5 = tpu.matmul %get3A_1, %get3A_4, %dot_general3A {dimension_numbers = #tpu.dot_dimension_numbers<[1], [0], [0], [1], [0, 0, 1, 1], [], []>, precision = #tpu.contract_precision<fp32>, transpose_lhs_hint = false} : vector<640x256xf32>, vector<256x256xf32>, vector<640x256xf32> -> vector<640x256xf32>
    %get3A_6 = arith.constant 0 : index
    %get3A_7 = arith.constant 0 : index
    %get3A_8 = vector.load %arg3[%get3A_6, %get3A_7] : memref<1x256xf32, #tpu.memory_space<vmem>>, vector<1x256xf32>
    %add3A = vector.broadcast %get3A_8 : vector<1x256xf32> to vector<640x256xf32>
    %add3A_9 = arith.addf %dot_general3A_5, %add3A : vector<640x256xf32>
    %swap3A = arith.constant 0 : index
    %swap3A_10 = arith.constant 0 : index
    %swap3A_11 = vector.load %arg4[%swap3A, %swap3A_10] : memref<640x256xf32, #tpu.memory_space<vmem>>, vector<640x256xf32>
    tpu.vector_store %arg4[%swap3A, %swap3A_10], %add3A_9 {strides = array<i32>} : memref<640x256xf32, #tpu.memory_space<vmem>>, vector<640x256xf32>,
    return
  }
  func.func @transform_0(%arg0: i32) -> (i32, i32) {
    %c0_i32 = arith.constant 0 : i32
    %c0_i32_0 = arith.constant 0 : i32
    return %arg0, %c0_i32 : i32, i32
  }
  func.func @transform_1(%arg0: i32) -> (i32, i32) {
    %c0_i32 = arith.constant 0 : i32
    %c0_i32_0 = arith.constant 0 : i32
    %c0_i32_1 = arith.constant 0 : i32
    return %c0_i32, %c0_i32_0 : i32, i32
  }
  func.func @transform_2(%arg0: i32) -> (i32, i32) {
    %c0_i32 = arith.constant 0 : i32
    %c0_i32_0 = arith.constant 0 : i32
    %c0_i32_1 = arith.constant 0 : i32
    return %c0_i32, %c0_i32_0 : i32, i32
  }
  func.func @transform_3(%arg0: i32) -> (i32, i32) {
    %c0_i32 = arith.constant 0 : i32
    %c0_i32_0 = arith.constant 0 : i32
    return %arg0, %c0_i32 : i32, i32
  }
}

</mosaic_0001>

<sc_bundles>
// kernel: sparse-core-data-format-call.1.cloned.1.call-start
scs
called_computation.1_lowered:
.L_overlay_start_0:
0x0: {  	s1 =	sld [smem:$0x3FD9]  }
0x1: {  	s2 =	sld [smem:$0x3FFE];
	_ =	sdelay $0x1  }
0x2: {  	s3 =	srdreg.scid  }
0x3: {  	s0 =	sand.u32 $0x1, s3  }
0x4: {  	s17 =	sshll.u32 s0, $0xA;
	s1 =	sadd.s32 s2, s1  }
0x5: {  	s1 =	sadd.s32 s1, s17  }
0x6: {  	[smem:$0x3FBD] =	sst s1  }
0x7: {  	_ = 	snop  }
0x8: {  	(tm) =	ssettm $0x1  }
0x9: {  	s18 =	sld [smem:$0x3FFB];
	_ =	sdelay $0x3  }
0xa: {  	_ =	strace s18  }
0xb: {  	s1 =	sld [smem:$0x3FFC];
	_ =	sdelay $0x3  }
0xc: {  	_ =	strace s1  }
0xd: {  	s1 =	sld [smem:$0x3FFD];
	_ =	sdelay $0x3  }
0xe: {  	_ =	strace s1  }
0xf: {  	_ =	strace $0x8FFFFFFF  }
0x10: {  	s19 =	sld [smem:$0x3FDB];
	_ =	sdelay $0x1  }
0x11: {  	s20 =	simm.s32 $_scs_section_size  }
0x12: {  	s4 =	simm.s32 $_size__tile_overlayer_lowered;
	s5 =	simm.s32 $_tile_overlayer_lowered  }
0x13: {  	s23 =	simm.s32 $0x1BFF;
	s22 =	sshll.u32 s5, $0x1;
	s1 =	sadd.s32 s20, s19  }
0x14: {  	s6 =	simm.s32 $0x0;
	s21 =	sshll.u32 s4, $0x1;
	s4 =	sadd.s32 s22, s1  }
0x15: {  	[timem:s6], [sflag:s23] =	dma.local [hbm:s4], s21  }
0x16: {  	_ =	swait.ge [sflag:s23], s21  }
0x17: {  	s2 =	ssub.s32 $0x0, s21;
	[sflag:s23] =	ssyncset.done $0x0  }
0x18: {  	[sflag:s23] =	ssyncadd.s32 s2;
	_ =	sdelay $0x1  }
0x19: {  	s24 =	simm.s32 $0x1B8B  }
0x1a: {  	_ =	swait.ge [sflag:s24], $0x1  }
0x1b: {  	[sflag:s24] =	ssyncset.done $0x0  }
0x1c: {  	s26 =	simm.s32 $0x1B8E;
	s25 =	sld [smem:$0x3FFE];
	[sflag:s24] =	ssyncadd.s32 $0xFFFFFFFF  }
0x1d: {  	s27 =	simm.s32 $execute0_lowered;
	[smem:$0x3FD2] =	sst s26  }
0x1e: {  	s4 =	sshll.u32 s27, $0x1;
	_ =	strace $0x80000046;
	[dreg:$0x1] =	wrdreg $0xFFFFFFFF  }
0x1f: {  	s28 =	simm.s32 $_size_execute0_lowered;
	s1 =	sadd.s32 s1, s4;
	[dreg:$0x0] =	wrdreg $0x0  }
0x20: {  	s4 =	sshll.u32 s28, $0x1;
	[dreg:$0x2] =	wrdreg s1  }
0x21: {  	[dreg:$0x3] =	wrdreg s4  }
0x22: {  	[dreg:$0x4] =	wrdreg $0xC0  }
0x23: {  	_ =	task [dreg:s6], $0x5FFFF  }
0x24: {  	[dreg:$0x1] =	wrdreg $0xFFFFFFFF  }
0x25: {  	[dreg:$0x0] =	wrdreg $0x60  }
0x26: {  	[dreg:$0x2] =	wrdreg s25  }
0x27: {  	[dreg:$0x3] =	wrdreg $0xA  }
0x28: {  	_ =	task.clear_ibuf [dreg:s6], $0x4FFFF;
	_ =	strace $0x90000046  }
0x29: {  	s29 =	simm.s32 $0xA;
	_ =	strace $0x80000048  }
0x2a: {  	_ =	swait.ge [sflag:s29], $0x1  }
0x2b: {  	[sflag:s29] =	ssyncadd.s32 $0xFFFFFFFF  }
0x2c: {  	_ =	strace $0x90000048  }
0x2d: {  	_ =	sfence  }
0x2e: {  	s30 =	sld [smem:$0x0];
	_ =	sdelay $0x2  }
0x2f: {  	s31 =	sshll.u32 s3, $0xD;
	s3 =	sshrl.u32 s3, $0x2  }
0x30: {  	s2 =	sand.u32 $0x4000, s31;
	s1 =	sadd.s32 s3, s30  }
0x31: {  	s0 =	sor.u32 s2, s0;
	s1 =	sshll.u32 s1, $0x11  }
0x32: {  	s0 =	sor.u32 s1, s0  }
0x33: {  	s0 =	sadd.s32 $0x8F2B, s0  }
0x34: {  	[sflag:s0] =	ssyncadd.remote.s32 $0x1  }
0x35: {  	_ =	sfence.sel $0xFFFF  }
0x36: {  	[dreg:$0x0] =	wrdreg $0xFFFFFFFF;
	(pc) =	sbr.abs _section_cstart, $3  }
0x37: {  	[dreg:$0x1] =	wrdreg $0xFFFFFFFF  }
0x38: {  	_ =	task.clear_ibuf [dreg:s6], $0x2FFFF;
	_ =	strace $0x9FFFFFFF  }
0x39: {  	(tm) =	ssettm $0x7FFFFFFF  }
tec
execute0_lowered:
.L_overlay_start_1:
0x0: {  	(tag) =	ssettag $0x1  }
0x1: {  	s0 =	srdreg.scid  }
0x2: {  	s1 =	sshll.u32 s0, $0x4  }
0x3: {  	s4 =	rddreg [dreg:$0x0];
	s0 =	stileid.u32;
	s1 =	sand.u32 $0x10, s1  }
0x4: {  	s7 =	simm.s32 $0x1;
	s8 =	simm.s32 $0x2;
	s1 =	sor.u32 s0, s1  }
0x5: {  	s9 =	simm.s32 $0x0;
	s12 =	simm.s32 $0x0;
	s2 =	sshll.u32 s1, $0x2  }
0x6: {  	s11 =	simm.s32 $0x0;
	s3 =	sadd.s32 $0x1C00, s4;
	s6 =	ssub.s32 $0xAA0, s2  }
.Ltmp0:
0x7: {  	s4 =	sadd.s32 $0x2A9C00, s4;
	s5 =	sand.u32 $0x7C, s6;
	(pc) =	sbr.rel .LBB1_1-.Ltmp0, $4  }
0x8: {  	s1 =	rddreg [dreg:$0x1];
	_ =	strace $0x80000047;
	p0 =	sne.s32 s5, $0x0  }
0x9: {  	s6 =	sshrl.u32 s6, $0x7;
	s5 =	simm.s32 $0x1;
	s7 =	simm.s32 @!p0 $0x0  }
0xa: {  	s10 =	smov.u32 s2;
	[sflag:s5] =	ssyncpa.u1 $0x0;
	s6 =	sadd.s32 s7, s6  }
0xb: {  	[sflag:s8] =	ssyncpa.u1 $0x0;
	s8 =	simm.s32 $0x0;
	s7 =	sadd.s32 $0x1, s6  }
.LBB1_9:
0xc: {  	s14 =	sadd.s32 $0x80, s10  }
0xd: {  	p1 =	sgt.s32 s14, $0xA9F  }
0xe: {  	s14 =	smov.u32 @p1 s2;
	p1 =	sne.s32 s11, s7  }
.Ltmp1:
0xf: {  	p0 =	slt.u32 s11, $0x2;
	(pc) =	sbr.rel @!p1 .LBB1_10-.Ltmp1, $4  }
0x10: {  	s13 =	simm.s32 @!p0 $0x2  }
0x11: {  	s15 =	sadd.s32 $0x1, s11;
	_ =	swait.ge @!p0 [sflag:s13], $0x4000  }
0x12: {  	s12 =	smov.u32 s10;
	s9 =	sadd.s32 $0x4000, s9;
	[sflag:s13] =	ssyncset.done @!p0 $0x0  }
0x13: {  	s11 =	smov.u32 s15;
	s10 =	smov.u32 s14;
	[sflag:s13] =	ssyncadd.s32 @!p0 $0xFFFFC000  }
.LBB1_1:
0x14: {  	p0 =	sge.u32 s11, s6  }
0x15: {  	s13 =	sxor.u32 @!p0 $0xFFFFFFFF, s11  }
0x16: {  	s31 =	sadd.s32 $0xFFFFFFFF, s11;
	s14 =	sshll.u32 @!p0 s10, $0x9;
	s13 =	sshll.u32 @!p0 s13, $0xE  }
0x17: {  	s15 =	simm.s32 @!p0 $0x0;
	s14 =	sadd.s32 @!p0 s3, s14;
	s13 =	sand.u32 @!p0 $0x4000, s13  }
0x18: {  	[tilespmem:s13], [sflag:$0x1] =	stream.linear.gather @!p0 [hbm4b:s14+s15], $0x4000, $0x38;
	[tilespmem:$0x10000] =	vst v63  }
0x19: {  	p0 =	sge.u32 s31, s6  }
.Ltmp2:
0x1a: {  	_ = 	snop;
	(pc) =	sbr.rel @p0 .LBB1_9-.Ltmp2, $1  }
0x1b: {  	_ =	sdelay $0x3  }
0x1c: {  	s14 =	sand.u32 $0x4000, s9  }
0x1d: {  	_ =	swait.ge [sflag:s5], $0x4000;
	s15 =	sshll.u32 s11, $0xE;
	s16 =	simm.s32 $0x0  }
0x1e: {  	s13 =	sor.u32 $0x40, s14;
	[sflag:s5] =	ssyncset.done $0x0;
	s15 =	sand.u32 $0x4000, s15  }
0x1f: {  	s14 =	sor.u32 $0x8040, s14;
	[sflag:s5] =	ssyncadd.s32 $0xFFFFC000;
	s15 =	sor.u32 $0x8000, s15  }
.LBB1_3:
0x20: {  	s17 =	smov.u32 s14;
	s18 =	smov.u32 s13;
	s19 =	simm.s32 $0x0  }
.LBB1_4:
0x21: {  	v0 =	vmov s17;
	v2 =	vld [tilespmem:s18+$0x30]  }
0x22: {  	v4 =	vld [tilespmem:s18+$0xFFFFFFD0]  }
0x23: {  	v6 =	vld [tilespmem:s18+$0xFFFFFFE0]  }
0x24: {  	v7 =	vld [tilespmem:s18+$0xFFFFFFF0]  }
0x25: {  	s20 =	simm.s32 $0x0;
	v1 =	vld [tilespmem:s18+$0x0]  }
0x26: {  	v3 =	vld [tilespmem:s18+$0x10];
	[tilespmem:v0+s20+$0x30 ss:$0x1] =	vst.idx.msk $0xffff, v2  }
0x27: {  	v5 =	vld [tilespmem:s18+$0x20];
	[tilespmem:v0+s20+$0xFFFFFFD0 ss:$0x1] =	vst.idx.msk $0xffff, v4  }
0x28: {  	s21 =	sadd.s32 $0x80, s18;
	v2 =	vld [tilespmem:s18+$0xFFFFFFC0];
	[tilespmem:v0+s20+$0xFFFFFFE0 ss:$0x1] =	vst.idx.msk $0xffff, v6  }
0x29: {  	s22 =	simm.s32 $0x800;
	s23 =	simm.s32 $0x1000;
	v4 =	vld [tilespmem:s21+$0x30];
	[tilespmem:v0+s20+$0xFFFFFFF0 ss:$0x1] =	vst.idx.msk $0xffff, v7  }
.LBB1_5:
0x2a: {  	p0 =	sne.s32 s23, $0x3800;
	v6 =	vld [tilespmem:s21+$0xFFFFFFD0];
	[tilespmem:v0+s20+$0x0 ss:$0x1] =	vst.idx.msk $0xffff, v1  }
0x2b: {  	v7 =	vld [tilespmem:s21+$0xFFFFFFE0];
	[tilespmem:v0+s20+$0x10 ss:$0x1] =	vst.idx.msk $0xffff, v3  }
0x2c: {  	v8 =	vld [tilespmem:s21+$0xFFFFFFF0];
	[tilespmem:v0+s20+$0x20 ss:$0x1] =	vst.idx.msk $0xffff, v5  }
.Ltmp3:
0x2d: {  	v1 =	vld [tilespmem:s21+$0x0];
	[tilespmem:v0+s20+$0xFFFFFFC0 ss:$0x1] =	vst.idx.msk $0xffff, v2;
	s20 =	sshra.s32 s22, $0x2;
	s22 =	smov.u32 s23;
	(pc) =	sbr.rel @p0 .LBB1_5-.Ltmp3, $4  }
0x2e: {  	v3 =	vld [tilespmem:s21+$0x10];
	[tilespmem:v0+s20+$0x30 ss:$0x1] =	vst.idx.msk $0xffff, v4  }
0x2f: {  	[tilespmem:v0+s20+$0xFFFFFFD0 ss:$0x1] =	vst.idx.msk $0xffff, v6;
	v5 =	vld [tilespmem:s21+$0x20]  }
0x30: {  	v2 =	vld [tilespmem:s21+$0xFFFFFFC0];
	[tilespmem:v0+s20+$0xFFFFFFE0 ss:$0x1] =	vst.idx.msk $0xffff, v7;
	s21 =	sadd.s32 $0x80, s21  }
0x31: {  	s23 =	sadd.s32 $0x800, s23;
	v4 =	vld [tilespmem:s21+$0x30];
	[tilespmem:v0+s20+$0xFFFFFFF0 ss:$0x1] =	vst.idx.msk $0xffff, v8  }
0x32: {  	_ =	sdelay $0x3  }
0x33: {  	v6 =	vld [tilespmem:s21+$0xFFFFFFD0];
	[tilespmem:v0+s20+$0x0 ss:$0x1] =	vst.idx.msk $0xffff, v1  }
0x34: {  	v58 =	vld [tilespmem:s21+$0xFFFFFFE0];
	[tilespmem:v0+s20+$0x10 ss:$0x1] =	vst.idx.msk $0xffff, v3  }
0x35: {  	v59 =	vld [tilespmem:s21+$0xFFFFFFF0];
	[tilespmem:v0+s20+$0x20 ss:$0x1] =	vst.idx.msk $0xffff, v5  }
0x36: {  	s22 =	sshra.s32 s22, $0x2;
	v60 =	vld [tilespmem:s21+$0x0];
	[tilespmem:v0+s20+$0xFFFFFFC0 ss:$0x1] =	vst.idx.msk $0xffff, v2  }
0x37: {  	v61 =	vld [tilespmem:s21+$0x10];
	[tilespmem:v0+s22+$0x30 ss:$0x1] =	vst.idx.msk $0xffff, v4  }
0x38: {  	v62 =	vld [tilespmem:s21+$0x20];
	s19 =	sadd.s32 $0x1, s19;
	[tilespmem:v0+s22+$0xFFFFFFD0 ss:$0x1] =	vst.idx.msk $0xffff, v6  }
0x39: {  	v63 =	vld [tilespmem:s21+$0xFFFFFFC0];
	p0 =	sne.s32 s19, $0x4;
	[tilespmem:v0+s22+$0xFFFFFFE0 ss:$0x1] =	vst.idx.msk $0xffff, v58  }
.Ltmp4:
0x3a: {  	[tilespmem:v0+s22+$0xFFFFFFF0 ss:$0x1] =	vst.idx.msk $0xffff, v59;
	(pc) =	sbr.rel @p0 .LBB1_4-.Ltmp4, $4  }
0x3b: {  	[tilespmem:v0+s22+$0x0 ss:$0x1] =	vst.idx.msk $0xffff, v60  }
0x3c: {  	[tilespmem:v0+s22+$0x10 ss:$0x1] =	vst.idx.msk $0xffff, v61  }
0x3d: {  	[tilespmem:v0+s22+$0x20 ss:$0x1] =	vst.idx.msk $0xffff, v62  }
0x3e: {  	s18 =	sadd.s32 $0x400, s18;
	s17 =	sadd.s32 $0x80, s17;
	[tilespmem:v0+s22+$0xFFFFFFC0 ss:$0x1] =	vst.idx.msk $0xffff, v63  }
0x3f: {  	s16 =	sadd.s32 $0x1, s16  }
0x40: {  	p0 =	sne.s32 s16, $0x4  }
.Ltmp5:
0x41: {  	_ = 	snop;
	(pc) =	sbr.rel @p0 .LBB1_3-.Ltmp5, $2  }
0x42: {  	_ =	sdelay $0x2  }
0x43: {  	s13 =	sadd.s32 $0x1000, s13;
	s14 =	sadd.s32 $0x1000, s14  }
.Ltmp6:
0x44: {  	(pc) =	sbr.rel .LBB1_9-.Ltmp6, $4  }
0x45: {  	_ = 	snop  }
0x46: {  	s12 =	sshll.u32 s12, $0x9  }
0x47: {  	s12 =	sadd.s32 s4, s12  }
0x48: {  	[hbm4b:s12+s8] =	stream.linear.scatter [tilespmem:s15], [sflag:$0x2], $0x4000, $0x38;
	[tilespmem:$0x10000] =	vst v63  }
.LBB1_10:
0x49: {  	_ =	sfence.sel $0x180000  }
0x4a: {  	s2 =	simm.s32 $0x1;
	[bflag:$0x0] =	sbarrier.arrive $0xFFFF  }
0x4b: {  	s31 =	simm.s32 $0x2;
	[sflag:s2] =	ssyncpa.u1 $0x1  }
0x4c: {  	[sflag:s31] =	ssyncpa.u1 $0x1  }
0x4d: {  	p0 =	sne.s32 s0, $0x0;
	_ =	strace $0x90000047  }
0x4e: {  	s0 =	sadd.s32 @!p0 $0x100000, s1;
	[bflag:$0x2] =	sbarrier.arrive $0xFFFF  }
0x4f: {  	[sflag:s0] =	ssyncadd.tile.s32 @!p0 $0x1;
	_ =	shalt  }
.Lfunc_end1:
_tile_overlayer_lowered:
.L_overlay_start_2:
0x50: {  	(tag) =	ssettag $0x2  }
0x51: {  	s0 =	rddreg [dreg:$0x0];
	s2 =	stileid.u32  }
0x52: {  	s1 =	rddreg [dreg:$0x1];
	p0 =	sne.s32 s2, $0x0  }
0x53: {  	s3 =	rddreg [dreg:$0x2];
	[bflag:$0x3] =	sbarrier.arrive $0xFFFF;
	s2 =	simm.s32 @!p0 $0x1C01  }
0x54: {  	[timem:s3], [sflag:s2] =	dma.local @!p0 [hbm:s0], s1  }
0x55: {  	s0 =	simm.s32 @!p0 $0x1  }
0x56: {  	_ =	swait.ge @!p0 [sflag:s0], s1  }
0x57: {  	s1 =	ssub.s32 @!p0 $0x0, s1;
	[sflag:s0] =	ssyncset.done @!p0 $0x0  }
0x58: {  	[sflag:s0] =	ssyncadd.s32 @!p0 s1  }
0x59: {  	[bflag:$0x3] =	sbarrier.arrive $0xFFFF  }
0x5a: {  	_ =	shalt  }

// kernel: sparse-core-data-format-call.cloned.1.call-start
scs
called_computation_lowered:
.L_overlay_start_0:
0x0: {  	s2 =	sld [smem:$0x3FD9]  }
0x1: {  	s3 =	sld [smem:$0x3FFE];
	_ =	sdelay $0x1  }
0x2: {  	s1 =	srdreg.scid  }
0x3: {  	s0 =	sand.u32 $0x1, s1  }
0x4: {  	s18 =	sshll.u32 s0, $0xA;
	s2 =	sadd.s32 s3, s2  }
0x5: {  	s2 =	sadd.s32 s2, s18  }
0x6: {  	[smem:$0x3FBD] =	sst s2  }
0x7: {  	_ = 	snop  }
0x8: {  	(tm) =	ssettm $0x1  }
0x9: {  	s19 =	sld [smem:$0x3FFB];
	_ =	sdelay $0x3  }
0xa: {  	_ =	strace s19  }
0xb: {  	s2 =	sld [smem:$0x3FFC];
	_ =	sdelay $0x3  }
0xc: {  	_ =	strace s2  }
0xd: {  	s2 =	sld [smem:$0x3FFD];
	_ =	sdelay $0x3  }
0xe: {  	_ =	strace s2  }
0xf: {  	_ =	strace $0x8FFFFFFF  }
0x10: {  	s20 =	sld [smem:$0x3FDB];
	_ =	sdelay $0x1  }
0x11: {  	s21 =	simm.s32 $_scs_section_size  }
0x12: {  	s4 =	simm.s32 $_size__tile_overlayer_lowered;
	s5 =	simm.s32 $_tile_overlayer_lowered  }
0x13: {  	s6 =	simm.s32 $0x1BFF;
	s22 =	sshll.u32 s5, $0x1;
	s3 =	sadd.s32 s21, s20  }
0x14: {  	s23 =	simm.s32 $0x0;
	s4 =	sshll.u32 s4, $0x1;
	s5 =	sadd.s32 s22, s3  }
0x15: {  	[timem:s23], [sflag:s6] =	dma.local [hbm:s5], s4  }
0x16: {  	_ =	swait.ge [sflag:s6], s4  }
0x17: {  	s4 =	ssub.s32 $0x0, s4;
	[sflag:s6] =	ssyncset.done $0x0  }
0x18: {  	[sflag:s6] =	ssyncadd.s32 s4;
	_ =	sdelay $0x1  }
0x19: {  	s24 =	simm.s32 $0x1B8B  }
0x1a: {  	_ =	swait.ge [sflag:s24], $0x1  }
0x1b: {  	[sflag:s24] =	ssyncset.done $0x0  }
0x1c: {  	[sflag:s24] =	ssyncadd.s32 $0xFFFFFFFF  }
0x1d: {  	s4 =	sld [smem:$0x0]  }
0x1e: {  	s5 =	sand.u32 $0xFFFFFFFE, s1  }
0x1f: {  	p0 =	sne.s32 s1, s5  }
0x20: {  	s5 =	sshll.u32 @p0 s5, $0xE  }
0x21: {  	s5 =	sadd.s32 @p0 $0x11B8D, s5;
	s6 =	sshll.u32 @p0 s4, $0x11  }
0x22: {  	s5 =	sor.u32 @p0 s6, s5  }
0x23: {  	[sflag:s5] =	ssyncadd.remote.s32 @p0 $0x1;
	_ =	sdelay $0x1  }
0x24: {  	s5 =	simm.s32 @p0 $0x1B8D  }
0x25: {  	_ =	swait.eq @p0 [sflag:s5], $0x1  }
0x26: {  	[sflag:s5] =	ssyncadd.s32 @p0 $0xFFFFFFFF  }
0x27: {  	s6 =	sshll.u32 @!p0 s1, $0xE  }
0x28: {  	s6 =	sor.u32 @!p0 $0x4000, s6;
	s5 =	simm.s32 @!p0 $0x1B8D  }
0x29: {  	s4 =	sshll.u32 @!p0 s4, $0x11;
	s6 =	sadd.s32 @!p0 $0x11B8D, s6;
	_ =	swait.eq @!p0 [sflag:s5], $0x1  }
0x2a: {  	s4 =	sor.u32 @!p0 s4, s6;
	[sflag:s5] =	ssyncadd.s32 @!p0 $0xFFFFFFFF  }
0x2b: {  	s26 =	simm.s32 $0x1B8E;
	s25 =	sld [smem:$0x3FFE];
	[sflag:s4] =	ssyncadd.remote.s32 @!p0 $0x1  }
0x2c: {  	s27 =	simm.s32 $execute0_lowered;
	[smem:$0x3FD2] =	sst s26  }
0x2d: {  	s5 =	sshll.u32 s27, $0x1;
	_ =	strace $0x80000049;
	[dreg:$0x1] =	wrdreg $0xFFFFFFFF  }
0x2e: {  	s28 =	simm.s32 $_size_execute0_lowered;
	s3 =	sadd.s32 s3, s5;
	[dreg:$0x0] =	wrdreg $0x0  }
0x2f: {  	s5 =	sshll.u32 s28, $0x1;
	[dreg:$0x2] =	wrdreg s3  }
0x30: {  	[dreg:$0x3] =	wrdreg s5  }
0x31: {  	[dreg:$0x4] =	wrdreg $0xC0  }
0x32: {  	_ =	task [dreg:s23], $0x5FFFF  }
0x33: {  	[dreg:$0x1] =	wrdreg $0xFFFFFFFF  }
0x34: {  	[dreg:$0x0] =	wrdreg $0x60  }
0x35: {  	[dreg:$0x2] =	wrdreg s25  }
0x36: {  	[dreg:$0x3] =	wrdreg $0x9  }
0x37: {  	_ =	task.clear_ibuf [dreg:s23], $0x4FFFF;
	_ =	strace $0x90000049  }
0x38: {  	s29 =	simm.s32 $0x9;
	_ =	strace $0x8000004B  }
0x39: {  	_ =	swait.ge [sflag:s29], $0x1  }
0x3a: {  	[sflag:s29] =	ssyncadd.s32 $0xFFFFFFFF  }
0x3b: {  	_ =	strace $0x9000004B  }
0x3c: {  	_ =	sfence  }
0x3d: {  	s30 =	sld [smem:$0x0];
	_ =	sdelay $0x2  }
0x3e: {  	s31 =	sshll.u32 s1, $0xD;
	s1 =	sshrl.u32 s1, $0x2  }
0x3f: {  	s4 =	sand.u32 $0x4000, s31;
	s1 =	sadd.s32 s1, s30  }
0x40: {  	s0 =	sor.u32 s4, s0;
	s1 =	sshll.u32 s1, $0x11  }
0x41: {  	s0 =	sor.u32 s1, s0  }
0x42: {  	s0 =	sadd.s32 $0x8F2B, s0  }
0x43: {  	[sflag:s0] =	ssyncadd.remote.s32 $0x1  }
0x44: {  	_ =	sfence.sel $0xFFFF  }
0x45: {  	[dreg:$0x0] =	wrdreg $0xFFFFFFFF;
	(pc) =	sbr.abs _section_cstart, $3  }
0x46: {  	[dreg:$0x1] =	wrdreg $0xFFFFFFFF  }
0x47: {  	_ =	task.clear_ibuf [dreg:s23], $0x2FFFF;
	_ =	strace $0x9FFFFFFF  }
0x48: {  	(tm) =	ssettm $0x7FFFFFFF  }
0x49: {  	_ =	shalt  }
tec
execute0_lowered:
.L_overlay_start_1:
0x0: {  	(tag) =	ssettag $0x1  }
0x1: {  	s0 =	rddreg [dreg:$0x0]  }
0x2: {  	s5 =	stileid.u32;
	s1 =	srdreg.scid;
	_ =	strace $0x8000004A  }
0x3: {  	s6 =	simm.s32 $0x1;
	s8 =	simm.s32 $0x2;
	s19 =	simm.s32 $0x0  }
0x4: {  	s18 =	simm.s32 $0x0;
	s20 =	simm.s32 $0x0;
	s21 =	simm.s32 $0x0  }
0x5: {  	s14 =	simm.s32 $0x0;
	s2 =	sshll.u32 s5, $0x5;
	s1 =	sshll.u32 s1, $0x9  }
0x6: {  	s16 =	simm.s32 $0x0;
	s17 =	simm.s32 $0x0;
	s1 =	sor.u32 s2, s1  }
0x7: {  	s4 =	sadd.s32 $0x551C00, s0;
	s5 =	sand.u32 $0x7, s5;
	s3 =	sand.u32 $0x300, s1  }
0x8: {  	[sflag:s6] =	ssyncpa.u1 $0x0;
	s9 =	sadd.s32 $0x4A7C00, s0;
	s1 =	ssub.s32 $0x5500, s3  }
.Ltmp0:
0x9: {  	s10 =	sadd.s32 $0x4FCC00, s0;
	s7 =	sand.u32 $0x300, s1;
	(pc) =	sbr.rel .LBB1_1-.Ltmp0, $4  }
0xa: {  	s2 =	sadd.s32 $0x3FDC00, s0;
	p0 =	sne.s32 s7, $0x0;
	s7 =	simm.s32 $0x1  }
0xb: {  	[sflag:s8] =	ssyncpa.u1 $0x0;
	s1 =	sshrl.u32 s1, $0xA;
	s7 =	simm.s32 @!p0 $0x0  }
0xc: {  	s8 =	sadd.s32 $0x452C00, s0;
	s15 =	smov.u32 s5;
	s7 =	sadd.s32 s7, s1  }
0xd: {  	s13 =	smov.u32 s3;
	p0 =	por $0x0, $0x0;
	s11 =	sadd.s32 $0x1, s7  }
.LBB1_7:
0xe: {  	s0 =	sadd.s32 $0x400, s13  }
0xf: {  	s1 =	sadd.s32 $0x10, s14;
	s12 =	smov.u32 s14;
	p2 =	sgt.s32 s0, $0x54FF  }
0x10: {  	s12 =	smov.u32 @p2 s1  }
0x11: {  	s22 =	smov.u32 s15;
	s1 =	sadd.s32 $0x8, s15;
	p3 =	sgt.s32 s12, $0xF  }
0x12: {  	s22 =	smov.u32 @p3 s1  }
0x13: {  	s23 =	smov.u32 s16;
	s1 =	sadd.s32 $0x4, s16;
	p4 =	sgt.s32 s22, $0x7  }
0x14: {  	p1 =	slt.u32 s17, $0x2;
	s23 =	smov.u32 @p4 s1  }
0x15: {  	s19 =	smov.u32 s13;
	s0 =	smov.u32 @p2 s3;
	p2 =	sgt.s32 s23, $0x3  }
0x16: {  	s18 =	smov.u32 s14;
	s23 =	simm.s32 @p2 $0x0;
	p2 =	sne.s32 s17, s11  }
.Ltmp1:
0x17: {  	s20 =	smov.u32 s15;
	s21 =	smov.u32 s16;
	(pc) =	sbr.rel @!p2 .LBB1_8-.Ltmp1, $4  }
0x18: {  	p0 =	por !p0, !p0;
	s13 =	smov.u32 s0;
	s1 =	simm.s32 @!p1 $0x2  }
0x19: {  	s12 =	simm.s32 @p3 $0x0;
	s22 =	smov.u32 @p4 s5;
	_ =	swait.ge @!p1 [sflag:s1], $0x4000  }
0x1a: {  	s14 =	smov.u32 s12;
	s15 =	smov.u32 s22;
	[sflag:s1] =	ssyncset.done @!p1 $0x0  }
0x1b: {  	s17 =	sadd.s32 $0x1, s17;
	[sflag:s1] =	ssyncadd.s32 @!p1 $0xFFFFC000;
	s16 =	smov.u32 s23  }
.LBB1_1:
0x1c: {  	p1 =	sge.u32 s17, s7  }
0x1d: {  	s0 =	sshrl.u32 @!p1 s14, $0x3  }
0x1e: {  	s1 =	sshll.u32 @!p1 s13, $0x3;
	s0 =	smul.u32 @!p1 $0x2A800, s0  }
0x1f: {  	s12 =	sshll.u32 @!p1 s14, $0x7;
	s1 =	sand.u32 @!p1 $0xFFFFFC00, s1  }
0x20: {  	s0 =	sadd.s32 @!p1 s0, s1;
	s1 =	sand.u32 @!p1 $0x380, s12  }
0x21: {  	s12 =	sand.u32 @!p1 $0x7F, s13;
	s0 =	sor.u32 @!p1 s1, s0  }
0x22: {  	s1 =	sor.u32 @!p1 s12, s0  }
0x23: {  	s12 =	smulhi.u32 @!p1 $0xC0C0C0C1, s1  }
0x24: {  	s0 =	smulhi.u32 @!p1 $0xC0C0C0C1, s0  }
0x25: {  	s23 =	smul.u32 @!p1 $0x55000, s16;
	s12 =	sshrl.u32 @!p1 s12, $0xE  }
0x26: {  	s22 =	sxor.u32 @!p1 $0xFFFFFFFF, s17;
	s0 =	sshrl.u32 @!p1 s0, $0xE;
	s12 =	smul.u32 @!p1 $0x5500, s12  }
0x27: {  	s24 =	smul.u32 @!p1 $0xAA00, s15;
	s26 =	simm.s32 @!p1 $0x2A800;
	s0 =	sand.u32 @!p1 $0xF, s0  }
0x28: {  	s0 =	smul.u32 @!p1 $0xAA0, s0;
	s1 =	ssub.s32 @!p1 s1, s12;
	s12 =	sadd.s32 @!p1 s2, s23  }
0x29: {  	s22 =	sshll.u32 @!p1 s22, $0xE;
	s12 =	sadd.s32 @!p1 s24, s12;
	s25 =	sand.u32 @!p1 $0x7, s1  }
0x2a: {  	s1 =	sshrl.u32 @!p1 s1, $0x3;
	s12 =	sadd.s32 @!p1 s0, s12;
	s25 =	sshll.u32 @!p1 s25, $0x12  }
0x2b: {  	s22 =	sand.u32 @!p1 $0x4000, s22;
	s12 =	sadd.s32 @!p1 s1, s12;
	s25 =	sor.u32 @!p1 $0x800, s25  }
0x2c: {  	[tilespmem:s22], [sflag:$0x1] =	stream.strided.gather @!p1 [hbm4b:s12+s25], $0x1000, s26, s25, $0x38;
	[tilespmem:$0x10800] =	vst v63  }
0x2d: {  	s12 =	sadd.s32 @!p1 s23, s8  }
0x2e: {  	s12 =	sadd.s32 @!p1 s24, s12  }
0x2f: {  	s12 =	sadd.s32 @!p1 s0, s12  }
0x30: {  	s27 =	sor.u32 @!p1 $0x1000, s22;
	s12 =	sadd.s32 @!p1 s1, s12  }
0x31: {  	[tilespmem:s27], [sflag:$0x1] =	stream.strided.gather @!p1 [hbm4b:s12+s25], $0x1000, s26, s25, $0x38;
	[tilespmem:$0x10800] =	vst v63  }
0x32: {  	s12 =	sadd.s32 @!p1 s23, s9  }
0x33: {  	s12 =	sadd.s32 @!p1 s24, s12  }
0x34: {  	s12 =	sadd.s32 @!p1 s0, s12  }
0x35: {  	s27 =	sor.u32 @!p1 $0x2000, s22;
	s12 =	sadd.s32 @!p1 s1, s12  }
0x36: {  	[tilespmem:s27], [sflag:$0x1] =	stream.strided.gather @!p1 [hbm4b:s12+s25], $0x1000, s26, s25, $0x38;
	[tilespmem:$0x10800] =	vst v63  }
0x37: {  	s12 =	sadd.s32 @!p1 s23, s10  }
0x38: {  	s12 =	sadd.s32 @!p1 s24, s12  }
0x39: {  	s0 =	sadd.s32 @!p1 s0, s12  }
0x3a: {  	s31 =	sadd.s32 $0xFFFFFFFF, s17;
	s0 =	sadd.s32 @!p1 s1, s0;
	s1 =	sor.u32 @!p1 $0x3000, s22  }
0x3b: {  	[tilespmem:s1], [sflag:$0x1] =	stream.strided.gather @!p1 [hbm4b:s0+s25], $0x1000, s26, s25, $0x38;
	[tilespmem:$0x10800] =	vst v63  }
0x3c: {  	p1 =	sge.u32 s31, s7  }
.Ltmp2:
0x3d: {  	_ = 	snop;
	(pc) =	sbr.rel @p1 .LBB1_7-.Ltmp2, $1  }
0x3e: {  	_ =	sdelay $0x3  }
0x3f: {  	s0 =	simm.s32 $0x1;
	s1 =	sand.u32 $0x1, s17  }
0x40: {  	s0 =	simm.s32 @!p0 $0x0;
	s12 =	smul.u32 $0x11000, s1  }
0x41: {  	_ =	swait.ge [sflag:s6], $0x4000;
	s0 =	smul.u32 $0x11000, s0  }
0x42: {  	s25 =	simm.s32 $0x0;
	s26 =	simm.s32 $0x0;
	[sflag:s6] =	ssyncset.done $0x0  }
0x43: {  	s24 =	sshll.u32 s1, $0xE;
	s31 =	sshrl.u32 s12, $0x2;
	s0 =	sshrl.u32 s0, $0x2  }
0x44: {  	[sflag:s6] =	ssyncadd.s32 $0xFFFFC000;
	s22 =	sor.u32 $0x8000, s31;
	s23 =	sor.u32 $0x8000, s0  }
.LBB1_3:
0x45: {  	s0 =	sshll.u32 s26, $0xC  }
0x46: {  	s1 =	sadd.s32 s0, s24  }
0x47: {  	v0 =	vmov s1;
	_ =	sdelay $0x2  }
0x48: {  	s12 =	sand.u32 $0x380, s25;
	v1 =	vmov s0;
	s1 =	sand.u32 $0x800, s25  }
0x49: {  	s28 =	sor.u32 s12, s1  }
0x4a: {  	s0 =	sand.u32 $0xB00, s28;
	v2 =	vld.idx.msk [tilespmem:v0+s28+$0x410 ss:$0x1], $0xffff  }
0x4b: {  	s12 =	sand.u32 $0x80, s25;
	s0 =	sadd.s32 s0, s24;
	v3 =	vld.idx.msk [tilespmem:v0+s28+$0x420 ss:$0x1], $0xffff  }
0x4c: {  	s0 =	sadd.s32 s12, s0;
	v4 =	vld.idx.msk [tilespmem:v0+s28+$0x430 ss:$0x1], $0xffff  }
0x4d: {  	v5 =	vld.idx.msk [tilespmem:v1+s0+$0x400 ss:$0x1], $0xffff  }
0x4e: {  	v6 =	vld.idx.msk [tilespmem:v1+s0+$0x0 ss:$0x1], $0xffff  }
0x4f: {  	v7 =	vld.idx.msk [tilespmem:v1+s0+$0x10 ss:$0x1], $0xffff  }
0x50: {  	v11 =	vld.idx.msk [tilespmem:v1+s0+$0x20 ss:$0x1], $0xffff  }
0x51: {  	v12 =	vld.idx.msk [tilespmem:v1+s0+$0x30 ss:$0x1], $0xffff  }
0x52: {  	s27 =	sadd.s32 $0x0, s23;
	v13 =	vld.idx.msk [tilespmem:v1+s0+$0x40 ss:$0x1], $0xffff  }
0x53: {  	v10 =	vld.idx.msk [tilespmem:v1+s0+$0x50 ss:$0x1], $0xffff;
	[tilespmem:s27+$0x2200 ss:$0x44] =	vst.msk $0xffff, v5  }
0x54: {  	v9 =	vld.idx.msk [tilespmem:v1+s0+$0x60 ss:$0x1], $0xffff;
	[tilespmem:s27+$0x0 ss:$0x44] =	vst.msk $0xffff, v6  }
0x55: {  	v8 =	vld.idx.msk [tilespmem:v1+s0+$0x70 ss:$0x1], $0xffff;
	[tilespmem:s27+$0x440 ss:$0x44] =	vst.msk $0xffff, v7  }
0x56: {  	[tilespmem:s27+$0x880 ss:$0x44] =	vst.msk $0xffff, v11;
	v5 =	vld.idx.msk [tilespmem:v0+s28+$0x440 ss:$0x1], $0xffff  }
0x57: {  	s29 =	simm.s32 $0x4;
	s30 =	simm.s32 $0x80;
	s31 =	simm.s32 $0x100;
	[tilespmem:s27+$0xCC0 ss:$0x44] =	vst.msk $0xffff, v12;
	v6 =	vld.idx.msk [tilespmem:v0+s28+$0x450 ss:$0x1], $0xffff  }
0x58: {  	s1 =	sand.u32 $0x800, s31;
	s12 =	sand.u32 $0x380, s30;
	s0 =	simm.s32 $0x8;
	[tilespmem:s27+$0x1100 ss:$0x44] =	vst.msk $0xffff, v13;
	v7 =	vld.idx.msk [tilespmem:v0+s28+$0x460 ss:$0x1], $0xffff  }
.LBB1_4:
0x59: {  	p1 =	sne.s32 s0, $0x3C;
	[tilespmem:s27+$0x1540 ss:$0x44] =	vst.msk $0xffff, v10;
	v10 =	vld.idx.msk [tilespmem:v0+s28+$0x470 ss:$0x1], $0xffff;
	s28 =	sor.u32 s12, s1  }
0x5a: {  	s1 =	sand.u32 $0xB00, s28;
	v11 =	vld.idx.msk [tilespmem:v0+s28+$0x410 ss:$0x1], $0xffff;
	[tilespmem:s27+$0x1980 ss:$0x44] =	vst.msk $0xffff, v9  }
0x5b: {  	s12 =	sand.u32 $0x80, s30;
	s1 =	sadd.s32 s1, s24;
	v9 =	vld.idx.msk [tilespmem:v0+s28+$0x420 ss:$0x1], $0xffff;
	[tilespmem:s27+$0x1DC0 ss:$0x44] =	vst.msk $0xffff, v8  }
0x5c: {  	s1 =	sadd.s32 s12, s1;
	v8 =	vld.idx.msk [tilespmem:v0+s28+$0x430 ss:$0x1], $0xffff;
	[tilespmem:s27+$0x2640 ss:$0x44] =	vst.msk $0xffff, v2  }
0x5d: {  	v12 =	vld.idx.msk [tilespmem:v1+s1+$0x400 ss:$0x1], $0xffff;
	[tilespmem:s27+$0x2A80 ss:$0x44] =	vst.msk $0xffff, v3  }
0x5e: {  	v13 =	vld.idx.msk [tilespmem:v1+s1+$0x0 ss:$0x1], $0xffff;
	[tilespmem:s27+$0x2EC0 ss:$0x44] =	vst.msk $0xffff, v4  }
0x5f: {  	v14 =	vld.idx.msk [tilespmem:v1+s1+$0x10 ss:$0x1], $0xffff;
	[tilespmem:s27+$0x3300 ss:$0x44] =	vst.msk $0xffff, v5  }
0x60: {  	v2 =	vmov v11;
	v5 =	vld.idx.msk [tilespmem:v1+s1+$0x20 ss:$0x1], $0xffff;
	[tilespmem:s27+$0x3740 ss:$0x44] =	vst.msk $0xffff, v6  }
0x61: {  	s12 =	sshra.s32 s29, $0x2;
	s29 =	smov.u32 s0;
	v3 =	vmov v9;
	v6 =	vld.idx.msk [tilespmem:v1+s1+$0x30 ss:$0x1], $0xffff;
	[tilespmem:s27+$0x3B80 ss:$0x44] =	vst.msk $0xffff, v7  }
0x62: {  	v4 =	vmov v8;
	v7 =	vld.idx.msk [tilespmem:v1+s1+$0x40 ss:$0x1], $0xffff;
	[tilespmem:s27+$0x3FC0 ss:$0x44] =	vst.msk $0xffff, v10;
	s27 =	sadd.s32 s12, s23  }
0x63: {  	v10 =	vld.idx.msk [tilespmem:v1+s1+$0x50 ss:$0x1], $0xffff;
	[tilespmem:s27+$0x2200 ss:$0x44] =	vst.msk $0xffff, v12  }
.Ltmp3:
0x64: {  	[tilespmem:s27+$0x0 ss:$0x44] =	vst.msk $0xffff, v13;
	v9 =	vld.idx.msk [tilespmem:v1+s1+$0x60 ss:$0x1], $0xffff;
	(pc) =	sbr.rel @p1 .LBB1_4-.Ltmp3, $4  }
0x65: {  	[tilespmem:s27+$0x440 ss:$0x44] =	vst.msk $0xffff, v14;
	v8 =	vld.idx.msk [tilespmem:v1+s1+$0x70 ss:$0x1], $0xffff  }
0x66: {  	[tilespmem:s27+$0x880 ss:$0x44] =	vst.msk $0xffff, v5;
	v5 =	vld.idx.msk [tilespmem:v0+s28+$0x440 ss:$0x1], $0xffff  }
0x67: {  	s30 =	sadd.s32 $0x80, s30;
	s31 =	sadd.s32 $0x100, s31;
	[tilespmem:s27+$0xCC0 ss:$0x44] =	vst.msk $0xffff, v6;
	v6 =	vld.idx.msk [tilespmem:v0+s28+$0x450 ss:$0x1], $0xffff  }
0x68: {  	s0 =	sadd.s32 $0x4, s0;
	s12 =	sand.u32 $0x380, s30;
	s1 =	sand.u32 $0x800, s31;
	[tilespmem:s27+$0x1100 ss:$0x44] =	vst.msk $0xffff, v7;
	v7 =	vld.idx.msk [tilespmem:v0+s28+$0x460 ss:$0x1], $0xffff  }
0x69: {  	[tilespmem:s27+$0x1540 ss:$0x44] =	vst.msk $0xffff, v10  }
0x6a: {  	[tilespmem:s27+$0x1980 ss:$0x44] =	vst.msk $0xffff, v9  }
0x6b: {  	[tilespmem:s27+$0x2640 ss:$0x44] =	vst.msk $0xffff, v2  }
0x6c: {  	[tilespmem:s27+$0x2A80 ss:$0x44] =	vst.msk $0xffff, v3  }
0x6d: {  	s0 =	sor.u32 s12, s1;
	v47 =	vld.idx.msk [tilespmem:v0+s28+$0x470 ss:$0x1], $0xffff;
	[tilespmem:s27+$0x2EC0 ss:$0x44] =	vst.msk $0xffff, v4  }
0x6e: {  	[tilespmem:s27+$0x1DC0 ss:$0x44] =	vst.msk $0xffff, v8;
	v57 =	vld.idx.msk [tilespmem:v0+s0+$0x410 ss:$0x1], $0xffff  }
0x6f: {  	v58 =	vld.idx.msk [tilespmem:v0+s0+$0x420 ss:$0x1], $0xffff;
	[tilespmem:s27+$0x3300 ss:$0x44] =	vst.msk $0xffff, v5  }
0x70: {  	v59 =	vld.idx.msk [tilespmem:v0+s0+$0x430 ss:$0x1], $0xffff;
	[tilespmem:s27+$0x3740 ss:$0x44] =	vst.msk $0xffff, v6  }
0x71: {  	s31 =	sshra.s32 s29, $0x2;
	v60 =	vld.idx.msk [tilespmem:v0+s0+$0x440 ss:$0x1], $0xffff;
	[tilespmem:s27+$0x3B80 ss:$0x44] =	vst.msk $0xffff, v7  }
0x72: {  	s1 =	sand.u32 $0xB00, s0;
	s12 =	sadd.s32 s31, s23;
	v61 =	vld.idx.msk [tilespmem:v0+s0+$0x450 ss:$0x1], $0xffff;
	[tilespmem:s27+$0x3FC0 ss:$0x44] =	vst.msk $0xffff, v47  }
0x73: {  	s30 =	sand.u32 $0x80, s30;
	v62 =	vld.idx.msk [tilespmem:v0+s0+$0x460 ss:$0x1], $0xffff;
	s1 =	sadd.s32 s1, s24;
	[tilespmem:s12+$0x2640 ss:$0x44] =	vst.msk $0xffff, v57  }
0x74: {  	v63 =	vld.idx.msk [tilespmem:v0+s0+$0x470 ss:$0x1], $0xffff;
	s1 =	sadd.s32 s30, s1;
	[tilespmem:s12+$0x2A80 ss:$0x44] =	vst.msk $0xffff, v58  }
0x75: {  	v48 =	vld.idx.msk [tilespmem:v1+s1+$0x400 ss:$0x1], $0xffff;
	[tilespmem:s12+$0x2EC0 ss:$0x44] =	vst.msk $0xffff, v59  }
0x76: {  	v49 =	vld.idx.msk [tilespmem:v1+s1+$0x0 ss:$0x1], $0xffff;
	[tilespmem:s12+$0x3300 ss:$0x44] =	vst.msk $0xffff, v60  }
0x77: {  	v50 =	vld.idx.msk [tilespmem:v1+s1+$0x10 ss:$0x1], $0xffff;
	[tilespmem:s12+$0x3740 ss:$0x44] =	vst.msk $0xffff, v61  }
0x78: {  	v51 =	vld.idx.msk [tilespmem:v1+s1+$0x20 ss:$0x1], $0xffff;
	[tilespmem:s12+$0x3B80 ss:$0x44] =	vst.msk $0xffff, v62  }
0x79: {  	v52 =	vld.idx.msk [tilespmem:v1+s1+$0x30 ss:$0x1], $0xffff;
	[tilespmem:s12+$0x3FC0 ss:$0x44] =	vst.msk $0xffff, v63  }
0x7a: {  	v53 =	vld.idx.msk [tilespmem:v1+s1+$0x40 ss:$0x1], $0xffff;
	[tilespmem:s12+$0x2200 ss:$0x44] =	vst.msk $0xffff, v48  }
0x7b: {  	v54 =	vld.idx.msk [tilespmem:v1+s1+$0x50 ss:$0x1], $0xffff;
	[tilespmem:s12+$0x0 ss:$0x44] =	vst.msk $0xffff, v49  }
0x7c: {  	s26 =	sadd.s32 $0x1, s26;
	v55 =	vld.idx.msk [tilespmem:v1+s1+$0x60 ss:$0x1], $0xffff;
	[tilespmem:s12+$0x440 ss:$0x44] =	vst.msk $0xffff, v50  }
0x7d: {  	p1 =	sne.s32 s26, $0x4;
	v56 =	vld.idx.msk [tilespmem:v1+s1+$0x70 ss:$0x1], $0xffff;
	[tilespmem:s12+$0x880 ss:$0x44] =	vst.msk $0xffff, v51  }
.Ltmp4:
0x7e: {  	[tilespmem:s12+$0xCC0 ss:$0x44] =	vst.msk $0xffff, v52;
	(pc) =	sbr.rel @p1 .LBB1_3-.Ltmp4, $4  }
0x7f: {  	[tilespmem:s12+$0x1100 ss:$0x44] =	vst.msk $0xffff, v53  }
0x80: {  	[tilespmem:s12+$0x1540 ss:$0x44] =	vst.msk $0xffff, v54  }
0x81: {  	[tilespmem:s12+$0x1980 ss:$0x44] =	vst.msk $0xffff, v55  }
0x82: {  	s23 =	sadd.s32 $0x11, s23;
	[tilespmem:s12+$0x1DC0 ss:$0x44] =	vst.msk $0xffff, v56  }
0x83: {  	s0 =	sshll.u32 s21, $0x7;
	s1 =	sshll.u32 s20, $0x4;
	s12 =	sshll.u32 s19, $0x9  }
.Ltmp5:
0x84: {  	s1 =	sand.u32 $0x70, s1;
	s0 =	sadd.s32 s4, s0;
	(pc) =	sbr.rel .LBB1_7-.Ltmp5, $4  }
0x85: {  	s28 =	sshrl.u32 s18, $0x3;
	s29 =	sand.u32 $0x7, s18;
	s0 =	sadd.s32 s1, s0  }
0x86: {  	s30 =	sand.u32 $0xF, s28;
	s1 =	sshll.u32 s29, $0x12;
	s0 =	sadd.s32 s12, s0  }
0x87: {  	s31 =	simm.s32 $0x400;
	s1 =	sor.u32 $0x10, s1;
	s0 =	sadd.s32 s30, s0  }
0x88: {  	[hbm4b:s0+s1] =	stream.strided.scatter [tilespmem:s22], [sflag:$0x2], $0x4000, s31, s1, $0x8;
	[tilespmem:$0x10800] =	vst v63  }
.LBB1_8:
0x89: {  	_ =	sfence.sel $0x180000  }
0x8a: {  	s0 =	simm.s32 $0x1;
	[bflag:$0x0] =	sbarrier.arrive $0xFFFF  }
0x8b: {  	s30 =	simm.s32 $0x2;
	[sflag:s0] =	ssyncpa.u1 $0x1  }
0x8c: {  	[sflag:s30] =	ssyncpa.u1 $0x1  }
0x8d: {  	_ =	strace $0x9000004A  }
0x8e: {  	s31 =	stileid.u32;
	[bflag:$0x2] =	sbarrier.arrive $0xFFFF  }
0x8f: {  	p0 =	sne.s32 s31, $0x0;
	s0 =	rddreg [dreg:$0x1]  }
0x90: {  	s0 =	sadd.s32 @!p0 $0x100000, s0  }
0x91: {  	[sflag:s0] =	ssyncadd.tile.s32 @!p0 $0x1;
	_ =	shalt  }
.Lfunc_end1:
_tile_overlayer_lowered:
.L_overlay_start_2:
0x92: {  	(tag) =	ssettag $0x2  }
0x93: {  	s0 =	rddreg [dreg:$0x0];
	s2 =	stileid.u32  }
0x94: {  	s1 =	rddreg [dreg:$0x1];
	p0 =	sne.s32 s2, $0x0  }
0x95: {  	s3 =	rddreg [dreg:$0x2];
	[bflag:$0x3] =	sbarrier.arrive $0xFFFF;
	s2 =	simm.s32 @!p0 $0x1C01  }
0x96: {  	[timem:s3], [sflag:s2] =	dma.local @!p0 [hbm:s0], s1  }
0x97: {  	s0 =	simm.s32 @!p0 $0x1  }
0x98: {  	_ =	swait.ge @!p0 [sflag:s0], s1  }
0x99: {  	s1 =	ssub.s32 @!p0 $0x0, s1;
	[sflag:s0] =	ssyncset.done @!p0 $0x0  }
0x9a: {  	[sflag:s0] =	ssyncadd.s32 @!p0 s1  }
0x9b: {  	[bflag:$0x3] =	sbarrier.arrive $0xFFFF  }
0x9c: {  	_ =	shalt  }

</sc_bundles>
